<compile_context>
chip_gen: v7x
topology: tpu7x:2x2x1
jax: 0.10.2.dev20260603
libtpu: 0.0.44.dev20260713+nightly
codegen_flags: <defaults>
</compile_context>

<pallas_src>
import functools

import jax
import jax.numpy as jnp
from jax import lax
from jax.experimental import pallas as pl
from jax.experimental.pallas import tpu as pltpu
from jax.experimental.pallas import tpu_sc as plsc

_INFO = plsc.get_sparse_core_info()
_NC = _INFO.num_cores
_NS = _INFO.num_subcores
_NW = _NC * _NS

_NBUF = 3
_CHUNK = 4


def _make_gather(bsz: int, seq: int, d: int, chunk: int, nbuf: int):
    n_tok = bsz * seq
    b_per_w = n_tok // _NW
    wpr = seq // b_per_w
    assert wpr >= 1 and seq % b_per_w == 0
    n_chunks = b_per_w // chunk
    assert n_chunks >= 2 * nbuf
    mesh = plsc.VectorSubcoreMesh(core_axis_name="c", subcore_axis_name="s")

    @functools.partial(
        pl.kernel,
        mesh=mesh,
        out_type=jax.ShapeDtypeStruct((bsz, seq, d), jnp.float32),
        scratch_types=[
            pltpu.VMEM((n_chunks, chunk), jnp.int32),
        ] + [pltpu.VMEM((chunk, d), jnp.float32)] * nbuf
          + [pltpu.SemaphoreType.DMA] * (2 * nbuf),
    )
    def gather_kernel(table_hbm, idx_hbm, out_hbm, idx_v, *rest):
        bufs = rest[:nbuf]
        gsems = rest[nbuf:2 * nbuf]
        wsems = rest[2 * nbuf:]

        wid = lax.axis_index("s") * _NC + lax.axis_index("c")
        b0 = wid // wpr
        s0 = (wid % wpr) * b_per_w
        pltpu.sync_copy(idx_hbm.at[pl.ds(wid * n_chunks, n_chunks)], idx_v)

        def out_rows(g):
            return out_hbm.at[b0, pl.ds(s0 + g * chunk, chunk)]

        def start_gather(g, b):
            pltpu.async_copy(table_hbm.at[idx_v.at[g]], bufs[b], gsems[b])

        def visit(g, b, static):
            bn = (b + nbuf - 1) % nbuf
            pltpu.make_async_copy(
                table_hbm.at[idx_v.at[g]], bufs[b], gsems[b]).wait()

            def recycle_wait():
                pltpu.make_async_copy(
                    bufs[bn], out_rows(g - 1), wsems[bn]).wait()

            def next_gather():
                start_gather(g + nbuf - 1, bn)

            if static:
                if g >= 1 and g + nbuf - 1 < n_chunks:
                    recycle_wait()
                if g + nbuf - 1 < n_chunks:
                    next_gather()
            else:
                pl.when((g >= 1) & (g + nbuf - 1 < n_chunks))(recycle_wait)
                pl.when(g + nbuf - 1 < n_chunks)(next_gather)

            pltpu.async_copy(bufs[b], out_rows(g), wsems[b])

        for b in range(nbuf - 1):
            start_gather(b, b)

        n_full = (n_chunks // nbuf) * nbuf

        def ring_body(t, carry):
            for b in range(nbuf):
                visit(nbuf * t + b, b, static=False)
            return carry

        lax.fori_loop(0, n_full // nbuf, ring_body, 0)

        for g in range(n_full, n_chunks):
            visit(g, g % nbuf, static=True)

        for g in range(n_chunks - nbuf, n_chunks):
            b = g % nbuf
            pltpu.make_async_copy(bufs[b], out_rows(g), wsems[b]).wait()

    return gather_kernel


def kernel(idx, embedding):
    b, s = idx.shape
    v, d = embedding.shape
    n_tok = b * s
    idx32 = idx.reshape(n_tok // _CHUNK, _CHUNK).astype(jnp.int32)
    return _make_gather(b, s, d, _CHUNK, _NBUF)(embedding, idx32)

# --- scband reference (transcript-rebuilt; emitter-appended) ---
"""Pipeline reference for scband-bigram-16913581211724 (READ-ONLY COPY).

The authoritative reference and input builder live on the scoring server;
editing this copy changes nothing except your own understanding.
"""

import jax, jax.numpy as jnp
import numpy as np

VOCAB = 8192
BATCH = 4
SEQ = 2048

def setup_inputs(seed: int = 0) -> dict:
    key = jax.random.key(seed)
    k_idx, k_tab = jax.random.split(key)
    idx = jax.random.randint(k_idx, (BATCH, SEQ), 0, VOCAB, dtype=jnp.int64 if jax.config.jax_enable_x64 else jnp.int32)
    # nnx.Embed default init: variance-scaling-ish normal; use small normal
    embedding = jax.random.normal(k_tab, (VOCAB, VOCAB), dtype=jnp.float32) * 0.02
    return {"idx": idx, "embedding": embedding}

def reference(idx, embedding):
    # Bigram.__call__: logits = self.embed(idx) -> table gather
    logits = jnp.take(embedding, idx, axis=0)
    return logits

if __name__ == "__main__":
    import jax
    _d = setup_inputs()
    print(jax.jit(kernel)(*tuple(_d.values())))

</pallas_src>

<mosaic_0001>
#map = affine_map<(d0, d1) -> (0, 0)>
#map1 = affine_map<(d0, d1) -> (0, 0, 0)>
module attributes {stable_mosaic.version = 14 : i64} {
  func.func @gather_kernel(%arg0: i32, %arg1: i32, %arg2: memref<8192x8192xf32, #tpu.memory_space<hbm>>, %arg3: memref<2048x4xi32, #tpu.memory_space<hbm>>, %arg4: memref<4x2048x8192xf32, #tpu.memory_space<hbm>>, %arg5: memref<64x4xi32, #tpu.memory_space<vmem>>, %arg6: memref<4x8192xf32, #tpu.memory_space<vmem>>, %arg7: memref<4x8192xf32, #tpu.memory_space<vmem>>, %arg8: memref<4x8192xf32, #tpu.memory_space<vmem>>, %arg9: memref<!tpu.dma_semaphore, #tpu.memory_space<semaphore_mem>>, %arg10: memref<!tpu.dma_semaphore, #tpu.memory_space<semaphore_mem>>, %arg11: memref<!tpu.dma_semaphore, #tpu.memory_space<semaphore_mem>>, %arg12: memref<!tpu.dma_semaphore, #tpu.memory_space<semaphore_mem>>, %arg13: memref<!tpu.dma_semaphore, #tpu.memory_space<semaphore_mem>>, %arg14: memref<!tpu.dma_semaphore, #tpu.memory_space<semaphore_mem>>) attributes {dimension_semantics = [#tpu.dimension_semantics<core_parallel>, #tpu.dimension_semantics<subcore_parallel>], iteration_bounds = array<i64: 2, 16>, scalar_prefetch = 0 : i64, scratch_operands = 10 : i64, tpu.core_type = #tpu.core_type<sc_vector_subcore>, window_params = [{transform_indices = #map}, {transform_indices = #map}, {transform_indices = #map1}]} {
    %mul3A = arith.constant 2 : i32
    %mul3A_0 = arith.muli %arg1, %mul3A : i32
    %add3A = arith.addi %mul3A_0, %arg0 : i32
    %jit3A = arith.constant 8 : i32
    %div3A = arith.divsi %add3A, %jit3A : i32
    %sign3A = arith.constant 0 : i32
    %sign3A_1 = arith.cmpi sgt, %add3A, %sign3A : i32
    %sign3A_2 = arith.extui %sign3A_1 : i1 to i32
    %sign3A_3 = arith.constant 0 : i32
    %sign3A_4 = arith.cmpi slt, %add3A, %sign3A_3 : i32
    %sign3A_5 = arith.extui %sign3A_4 : i1 to i32
    %sign3A_6 = arith.subi %sign3A_2, %sign3A_5 : i32
    %sign3A_7 = arith.constant 0 : i32
    %sign3A_8 = arith.cmpi sgt, %jit3A, %sign3A_7 : i32
    %sign3A_9 = arith.extui %sign3A_8 : i1 to i32
    %sign3A_10 = arith.constant 0 : i32
    %sign3A_11 = arith.cmpi slt, %jit3A, %sign3A_10 : i32
    %sign3A_12 = arith.extui %sign3A_11 : i1 to i32
    %sign3A_13 = arith.subi %sign3A_9, %sign3A_12 : i32
    %ne3A = arith.cmpi ne, %sign3A_6, %sign3A_13 : i32
    %rem3A = arith.remsi %add3A, %jit3A : i32
    %ne3A_14 = arith.constant 0 : i32
    %ne3A_15 = arith.cmpi ne, %rem3A, %ne3A_14 : i32
    %and3A = arith.andi %ne3A, %ne3A_15 : i1
    %sub3A = arith.constant 1 : i32
    %sub3A_16 = arith.subi %div3A, %sub3A : i32
    %select_n3A = arith.select %and3A, %sub3A_16, %div3A : i32
    %jit3A_17 = arith.constant 8 : i32
    %eq3A = arith.constant 0 : i32
    %eq3A_18 = arith.cmpi eq, %jit3A_17, %eq3A : i32
    %jit3A_19 = arith.constant 1 : i32
    %select_n3A_20 = arith.select %eq3A_18, %jit3A_19, %jit3A_17 : i32
    %rem3A_21 = arith.remsi %add3A, %select_n3A_20 : i32
    %ne3A_22 = arith.constant 0 : i32
    %ne3A_23 = arith.cmpi ne, %rem3A_21, %ne3A_22 : i32
    %lt3A = arith.constant 0 : i32
    %lt3A_24 = arith.cmpi slt, %rem3A_21, %lt3A : i32
    %lt3A_25 = arith.constant 0 : i32
    %lt3A_26 = arith.cmpi slt, %select_n3A_20, %lt3A_25 : i32
    %ne3A_27 = arith.xori %lt3A_24, %lt3A_26 : i1
    %and3A_28 = arith.andi %ne3A_27, %ne3A_23 : i1
    %add3A_29 = arith.addi %rem3A_21, %select_n3A_20 : i32
    %select_n3A_30 = arith.select %and3A_28, %add3A_29, %rem3A_21 : i32
    %mul3A_31 = arith.constant 256 : i32
    %mul3A_32 = arith.muli %select_n3A_30, %mul3A_31 : i32
    %mul3A_33 = arith.constant 64 : i32
    %mul3A_34 = arith.muli %add3A, %mul3A_33 : i32
    "tpu.region"() ({
      %run_scoped3A = tpu.sem_alloc : memref<!tpu.dma_semaphore, #tpu.memory_space<semaphore_mem>>
      %dma_start3A_91 = arith.constant 0 : i32
      %dma_start3A_92 = tpu.memref_slice %arg3[%mul3A_34, %dma_start3A_91] : memref<2048x4xi32, #tpu.memory_space<hbm>> -> memref<64x4xi32, #tpu.memory_space<hbm>>
      %dma_start3A_93 = arith.constant 0 : i32
      %dma_start3A_94 = tpu.memref_slice %arg3[%mul3A_34, %dma_start3A_93] : memref<2048x4xi32, #tpu.memory_space<hbm>> -> memref<64x4xi32, #tpu.memory_space<hbm>>
      tpu.enqueue_dma source(%dma_start3A_94 : memref<64x4xi32, #tpu.memory_space<hbm>>) target(%arg5 : memref<64x4xi32, #tpu.memory_space<vmem>>) target_semaphore(%run_scoped3A : memref<!tpu.dma_semaphore, #tpu.memory_space<semaphore_mem>>)
      %dma_wait3A_95 = arith.constant 0 : i32
      %dma_wait3A_96 = tpu.memref_slice %arg3[%mul3A_34, %dma_wait3A_95] : memref<2048x4xi32, #tpu.memory_space<hbm>> -> memref<64x4xi32, #tpu.memory_space<hbm>>
      %dma_wait3A_97 = arith.constant 0 : i32
      %dma_wait3A_98 = tpu.memref_slice %arg3[%mul3A_34, %dma_wait3A_97] : memref<2048x4xi32, #tpu.memory_space<hbm>> -> memref<64x4xi32, #tpu.memory_space<hbm>>
      tpu.wait_dma2 semaphore(%run_scoped3A : memref<!tpu.dma_semaphore, #tpu.memory_space<semaphore_mem>>) src(%dma_wait3A_98 : memref<64x4xi32, #tpu.memory_space<hbm>>) dst(%arg5 : memref<64x4xi32, #tpu.memory_space<vmem>>)
      tpu.yield
    }) : () -> ()
    %dma_start3A = arith.constant 0 : i32
    %dma_start3A_35 = arith.constant 0 : i32
    %dma_start3A_36 = tpu.memref_slice %arg5[%dma_start3A, %dma_start3A_35] : memref<64x4xi32, #tpu.memory_space<vmem>> -> memref<1x4xi32, #tpu.memory_space<vmem>>
    %dma_start3A_37 = tpu.memref_squeeze %dma_start3A_36 : memref<1x4xi32, #tpu.memory_space<vmem>> -> memref<4xi32, #tpu.memory_space<vmem>>
    %dma_start3A_38 = arith.constant 0 : i32
    %dma_start3A_39 = arith.constant 0 : i32
    %dma_start3A_40 = tpu.memref_slice %arg2[%dma_start3A_38, %dma_start3A_39] : memref<8192x8192xf32, #tpu.memory_space<hbm>> -> memref<8192x8192xf32, #tpu.memory_space<hbm>>
    tpu.enqueue_indirect_dma source(%dma_start3A_40 : memref<8192x8192xf32, #tpu.memory_space<hbm>>) target(%arg6 : memref<4x8192xf32, #tpu.memory_space<vmem>>) offsets(%dma_start3A_37 : memref<4xi32, #tpu.memory_space<vmem>>) semaphore(%arg9 : memref<!tpu.dma_semaphore, #tpu.memory_space<semaphore_mem>>)
    %dma_start3A_41 = arith.constant 1 : i32
    %dma_start3A_42 = arith.constant 0 : i32
    %dma_start3A_43 = tpu.memref_slice %arg5[%dma_start3A_41, %dma_start3A_42] : memref<64x4xi32, #tpu.memory_space<vmem>> -> memref<1x4xi32, #tpu.memory_space<vmem>>
    %dma_start3A_44 = tpu.memref_squeeze %dma_start3A_43 : memref<1x4xi32, #tpu.memory_space<vmem>> -> memref<4xi32, #tpu.memory_space<vmem>>
    %dma_start3A_45 = arith.constant 0 : i32
    %dma_start3A_46 = arith.constant 0 : i32
    %dma_start3A_47 = tpu.memref_slice %arg2[%dma_start3A_45, %dma_start3A_46] : memref<8192x8192xf32, #tpu.memory_space<hbm>> -> memref<8192x8192xf32, #tpu.memory_space<hbm>>
    tpu.enqueue_indirect_dma source(%dma_start3A_47 : memref<8192x8192xf32, #tpu.memory_space<hbm>>) target(%arg7 : memref<4x8192xf32, #tpu.memory_space<vmem>>) offsets(%dma_start3A_44 : memref<4xi32, #tpu.memory_space<vmem>>) semaphore(%arg10 : memref<!tpu.dma_semaphore, #tpu.memory_space<semaphore_mem>>)
    %scan3A = arith.constant 0 : i32
    %scan3A_48 = arith.constant 0 : i32
    %scan3A_49 = arith.constant 21 : i32
    %scan3A_50 = arith.addi %scan3A_48, %scan3A_49 : i32
    %scan3A_51 = arith.constant 1 : i32
    scf.for %scan3A_91 = %scan3A_48 to %scan3A_50 step %scan3A_51  : i32 {
      %mul3A_92 = arith.constant 3 : i32
      %mul3A_93 = arith.muli %mul3A_92, %scan3A_91 : i32
      %add3A_94 = arith.constant 0 : i32
      %add3A_95 = arith.addi %mul3A_93, %add3A_94 : i32
      %dma_wait3A_96 = arith.constant 0 : i32
      %dma_wait3A_97 = tpu.memref_slice %arg5[%add3A_95, %dma_wait3A_96] : memref<64x4xi32, #tpu.memory_space<vmem>> -> memref<1x4xi32, #tpu.memory_space<vmem>>
      %dma_wait3A_98 = tpu.memref_squeeze %dma_wait3A_97 : memref<1x4xi32, #tpu.memory_space<vmem>> -> memref<4xi32, #tpu.memory_space<vmem>>
      %dma_wait3A_99 = arith.constant 0 : i32
      %dma_wait3A_100 = arith.constant 0 : i32
      %dma_wait3A_101 = tpu.memref_slice %arg2[%dma_wait3A_99, %dma_wait3A_100] : memref<8192x8192xf32, #tpu.memory_space<hbm>> -> memref<8192x8192xf32, #tpu.memory_space<hbm>>
      tpu.wait_indirect_dma semaphore(%arg9 : memref<!tpu.dma_semaphore, #tpu.memory_space<semaphore_mem>>) src(%dma_wait3A_101 : memref<8192x8192xf32, #tpu.memory_space<hbm>>) dst(%arg6 : memref<4x8192xf32, #tpu.memory_space<vmem>>)
      %ge3A = arith.constant 1 : i32
      %ge3A_102 = arith.cmpi sge, %add3A_95, %ge3A : i32
      %add3A_103 = arith.constant 3 : i32
      %add3A_104 = arith.addi %add3A_95, %add3A_103 : i32
      %sub3A_105 = arith.constant 1 : i32
      %sub3A_106 = arith.subi %add3A_104, %sub3A_105 : i32
      %lt3A_107 = arith.constant 64 : i32
      %lt3A_108 = arith.cmpi slt, %sub3A_106, %lt3A_107 : i32
      %and3A_109 = arith.andi %ge3A_102, %lt3A_108 : i1
      %convert_element_type3A = arith.extui %and3A_109 : i1 to i32
      %cond3A = arith.constant 0 : i32
      %cond3A_110 = arith.cmpi ne, %convert_element_type3A, %cond3A : i32
      scf.if %cond3A_110 {
        %sub3A_209 = arith.constant 1 : i32
        %sub3A_210 = arith.subi %add3A_95, %sub3A_209 : i32
        %mul3A_211 = arith.constant 4 : i32
        %mul3A_212 = arith.muli %sub3A_210, %mul3A_211 : i32
        %add3A_213 = arith.addi %mul3A_32, %mul3A_212 : i32
        %dma_wait3A_214 = arith.constant 0 : i32
        %dma_wait3A_215 = tpu.memref_slice %arg4[%select_n3A, %add3A_213, %dma_wait3A_214] : memref<4x2048x8192xf32, #tpu.memory_space<hbm>> -> memref<1x4x8192xf32, #tpu.memory_space<hbm>>
        %dma_wait3A_216 = tpu.memref_squeeze %dma_wait3A_215 : memref<1x4x8192xf32, #tpu.memory_space<hbm>> -> memref<4x8192xf32, #tpu.memory_space<hbm>>
        %dma_wait3A_217 = arith.constant 0 : i32
        %dma_wait3A_218 = tpu.memref_slice %arg4[%select_n3A, %add3A_213, %dma_wait3A_217] : memref<4x2048x8192xf32, #tpu.memory_space<hbm>> -> memref<1x4x8192xf32, #tpu.memory_space<hbm>>
        %dma_wait3A_219 = tpu.memref_squeeze %dma_wait3A_218 : memref<1x4x8192xf32, #tpu.memory_space<hbm>> -> memref<4x8192xf32, #tpu.memory_space<hbm>>
        tpu.wait_dma2 semaphore(%arg14 : memref<!tpu.dma_semaphore, #tpu.memory_space<semaphore_mem>>) src(%arg8 : memref<4x8192xf32, #tpu.memory_space<vmem>>) dst(%dma_wait3A_219 : memref<4x8192xf32, #tpu.memory_space<hbm>>)
      } else {
      }
      %add3A_111 = arith.constant 3 : i32
      %add3A_112 = arith.addi %add3A_95, %add3A_111 : i32
      %sub3A_113 = arith.constant 1 : i32
      %sub3A_114 = arith.subi %add3A_112, %sub3A_113 : i32
      %lt3A_115 = arith.constant 64 : i32
      %lt3A_116 = arith.cmpi slt, %sub3A_114, %lt3A_115 : i32
      %convert_element_type3A_117 = arith.extui %lt3A_116 : i1 to i32
      %cond3A_118 = arith.constant 0 : i32
      %cond3A_119 = arith.cmpi ne, %convert_element_type3A_117, %cond3A_118 : i32
      scf.if %cond3A_119 {
        %add3A_209 = arith.constant 3 : i32
        %add3A_210 = arith.addi %add3A_95, %add3A_209 : i32
        %sub3A_211 = arith.constant 1 : i32
        %sub3A_212 = arith.subi %add3A_210, %sub3A_211 : i32
        %dma_start3A_213 = arith.constant 0 : i32
        %dma_start3A_214 = tpu.memref_slice %arg5[%sub3A_212, %dma_start3A_213] : memref<64x4xi32, #tpu.memory_space<vmem>> -> memref<1x4xi32, #tpu.memory_space<vmem>>
        %dma_start3A_215 = tpu.memref_squeeze %dma_start3A_214 : memref<1x4xi32, #tpu.memory_space<vmem>> -> memref<4xi32, #tpu.memory_space<vmem>>
        %dma_start3A_216 = arith.constant 0 : i32
        %dma_start3A_217 = arith.constant 0 : i32
        %dma_start3A_218 = tpu.memref_slice %arg2[%dma_start3A_216, %dma_start3A_217] : memref<8192x8192xf32, #tpu.memory_space<hbm>> -> memref<8192x8192xf32, #tpu.memory_space<hbm>>
        tpu.enqueue_indirect_dma source(%dma_start3A_218 : memref<8192x8192xf32, #tpu.memory_space<hbm>>) target(%arg8 : memref<4x8192xf32, #tpu.memory_space<vmem>>) offsets(%dma_start3A_215 : memref<4xi32, #tpu.memory_space<vmem>>) semaphore(%arg11 : memref<!tpu.dma_semaphore, #tpu.memory_space<semaphore_mem>>)
      } else {
      }
      %mul3A_120 = arith.constant 4 : i32
      %mul3A_121 = arith.muli %add3A_95, %mul3A_120 : i32
      %add3A_122 = arith.addi %mul3A_32, %mul3A_121 : i32
      %dma_start3A_123 = arith.constant 0 : i32
      %dma_start3A_124 = tpu.memref_slice %arg4[%select_n3A, %add3A_122, %dma_start3A_123] : memref<4x2048x8192xf32, #tpu.memory_space<hbm>> -> memref<1x4x8192xf32, #tpu.memory_space<hbm>>
      %dma_start3A_125 = tpu.memref_squeeze %dma_start3A_124 : memref<1x4x8192xf32, #tpu.memory_space<hbm>> -> memref<4x8192xf32, #tpu.memory_space<hbm>>
      %dma_start3A_126 = arith.constant 0 : i32
      %dma_start3A_127 = tpu.memref_slice %arg4[%select_n3A, %add3A_122, %dma_start3A_126] : memref<4x2048x8192xf32, #tpu.memory_space<hbm>> -> memref<1x4x8192xf32, #tpu.memory_space<hbm>>
      %dma_start3A_128 = tpu.memref_squeeze %dma_start3A_127 : memref<1x4x8192xf32, #tpu.memory_space<hbm>> -> memref<4x8192xf32, #tpu.memory_space<hbm>>
      tpu.enqueue_dma source(%arg6 : memref<4x8192xf32, #tpu.memory_space<vmem>>) target(%dma_start3A_128 : memref<4x8192xf32, #tpu.memory_space<hbm>>) target_semaphore(%arg12 : memref<!tpu.dma_semaphore, #tpu.memory_space<semaphore_mem>>)
      %mul3A_129 = arith.constant 3 : i32
      %mul3A_130 = arith.muli %mul3A_129, %scan3A_91 : i32
      %add3A_131 = arith.constant 1 : i32
      %add3A_132 = arith.addi %mul3A_130, %add3A_131 : i32
      %dma_wait3A_133 = arith.constant 0 : i32
      %dma_wait3A_134 = tpu.memref_slice %arg5[%add3A_132, %dma_wait3A_133] : memref<64x4xi32, #tpu.memory_space<vmem>> -> memref<1x4xi32, #tpu.memory_space<vmem>>
      %dma_wait3A_135 = tpu.memref_squeeze %dma_wait3A_134 : memref<1x4xi32, #tpu.memory_space<vmem>> -> memref<4xi32, #tpu.memory_space<vmem>>
      %dma_wait3A_136 = arith.constant 0 : i32
      %dma_wait3A_137 = arith.constant 0 : i32
      %dma_wait3A_138 = tpu.memref_slice %arg2[%dma_wait3A_136, %dma_wait3A_137] : memref<8192x8192xf32, #tpu.memory_space<hbm>> -> memref<8192x8192xf32, #tpu.memory_space<hbm>>
      tpu.wait_indirect_dma semaphore(%arg10 : memref<!tpu.dma_semaphore, #tpu.memory_space<semaphore_mem>>) src(%dma_wait3A_138 : memref<8192x8192xf32, #tpu.memory_space<hbm>>) dst(%arg7 : memref<4x8192xf32, #tpu.memory_space<vmem>>)
      %ge3A_139 = arith.constant 1 : i32
      %ge3A_140 = arith.cmpi sge, %add3A_132, %ge3A_139 : i32
      %add3A_141 = arith.constant 3 : i32
      %add3A_142 = arith.addi %add3A_132, %add3A_141 : i32
      %sub3A_143 = arith.constant 1 : i32
      %sub3A_144 = arith.subi %add3A_142, %sub3A_143 : i32
      %lt3A_145 = arith.constant 64 : i32
      %lt3A_146 = arith.cmpi slt, %sub3A_144, %lt3A_145 : i32
      %and3A_147 = arith.andi %ge3A_140, %lt3A_146 : i1
      %convert_element_type3A_148 = arith.extui %and3A_147 : i1 to i32
      %cond3A_149 = arith.constant 0 : i32
      %cond3A_150 = arith.cmpi ne, %convert_element_type3A_148, %cond3A_149 : i32
      scf.if %cond3A_150 {
        %sub3A_209 = arith.constant 1 : i32
        %sub3A_210 = arith.subi %add3A_132, %sub3A_209 : i32
        %mul3A_211 = arith.constant 4 : i32
        %mul3A_212 = arith.muli %sub3A_210, %mul3A_211 : i32
        %add3A_213 = arith.addi %mul3A_32, %mul3A_212 : i32
        %dma_wait3A_214 = arith.constant 0 : i32
        %dma_wait3A_215 = tpu.memref_slice %arg4[%select_n3A, %add3A_213, %dma_wait3A_214] : memref<4x2048x8192xf32, #tpu.memory_space<hbm>> -> memref<1x4x8192xf32, #tpu.memory_space<hbm>>
        %dma_wait3A_216 = tpu.memref_squeeze %dma_wait3A_215 : memref<1x4x8192xf32, #tpu.memory_space<hbm>> -> memref<4x8192xf32, #tpu.memory_space<hbm>>
        %dma_wait3A_217 = arith.constant 0 : i32
        %dma_wait3A_218 = tpu.memref_slice %arg4[%select_n3A, %add3A_213, %dma_wait3A_217] : memref<4x2048x8192xf32, #tpu.memory_space<hbm>> -> memref<1x4x8192xf32, #tpu.memory_space<hbm>>
        %dma_wait3A_219 = tpu.memref_squeeze %dma_wait3A_218 : memref<1x4x8192xf32, #tpu.memory_space<hbm>> -> memref<4x8192xf32, #tpu.memory_space<hbm>>
        tpu.wait_dma2 semaphore(%arg12 : memref<!tpu.dma_semaphore, #tpu.memory_space<semaphore_mem>>) src(%arg6 : memref<4x8192xf32, #tpu.memory_space<vmem>>) dst(%dma_wait3A_219 : memref<4x8192xf32, #tpu.memory_space<hbm>>)
      } else {
      }
      %add3A_151 = arith.constant 3 : i32
      %add3A_152 = arith.addi %add3A_132, %add3A_151 : i32
      %sub3A_153 = arith.constant 1 : i32
      %sub3A_154 = arith.subi %add3A_152, %sub3A_153 : i32
      %lt3A_155 = arith.constant 64 : i32
      %lt3A_156 = arith.cmpi slt, %sub3A_154, %lt3A_155 : i32
      %convert_element_type3A_157 = arith.extui %lt3A_156 : i1 to i32
      %cond3A_158 = arith.constant 0 : i32
      %cond3A_159 = arith.cmpi ne, %convert_element_type3A_157, %cond3A_158 : i32
      scf.if %cond3A_159 {
        %add3A_209 = arith.constant 3 : i32
        %add3A_210 = arith.addi %add3A_132, %add3A_209 : i32
        %sub3A_211 = arith.constant 1 : i32
        %sub3A_212 = arith.subi %add3A_210, %sub3A_211 : i32
        %dma_start3A_213 = arith.constant 0 : i32
        %dma_start3A_214 = tpu.memref_slice %arg5[%sub3A_212, %dma_start3A_213] : memref<64x4xi32, #tpu.memory_space<vmem>> -> memref<1x4xi32, #tpu.memory_space<vmem>>
        %dma_start3A_215 = tpu.memref_squeeze %dma_start3A_214 : memref<1x4xi32, #tpu.memory_space<vmem>> -> memref<4xi32, #tpu.memory_space<vmem>>
        %dma_start3A_216 = arith.constant 0 : i32
        %dma_start3A_217 = arith.constant 0 : i32
        %dma_start3A_218 = tpu.memref_slice %arg2[%dma_start3A_216, %dma_start3A_217] : memref<8192x8192xf32, #tpu.memory_space<hbm>> -> memref<8192x8192xf32, #tpu.memory_space<hbm>>
        tpu.enqueue_indirect_dma source(%dma_start3A_218 : memref<8192x8192xf32, #tpu.memory_space<hbm>>) target(%arg6 : memref<4x8192xf32, #tpu.memory_space<vmem>>) offsets(%dma_start3A_215 : memref<4xi32, #tpu.memory_space<vmem>>) semaphore(%arg9 : memref<!tpu.dma_semaphore, #tpu.memory_space<semaphore_mem>>)
      } else {
      }
      %mul3A_160 = arith.constant 4 : i32
      %mul3A_161 = arith.muli %add3A_132, %mul3A_160 : i32
      %add3A_162 = arith.addi %mul3A_32, %mul3A_161 : i32
      %dma_start3A_163 = arith.constant 0 : i32
      %dma_start3A_164 = tpu.memref_slice %arg4[%select_n3A, %add3A_162, %dma_start3A_163] : memref<4x2048x8192xf32, #tpu.memory_space<hbm>> -> memref<1x4x8192xf32, #tpu.memory_space<hbm>>
      %dma_start3A_165 = tpu.memref_squeeze %dma_start3A_164 : memref<1x4x8192xf32, #tpu.memory_space<hbm>> -> memref<4x8192xf32, #tpu.memory_space<hbm>>
      %dma_start3A_166 = arith.constant 0 : i32
      %dma_start3A_167 = tpu.memref_slice %arg4[%select_n3A, %add3A_162, %dma_start3A_166] : memref<4x2048x8192xf32, #tpu.memory_space<hbm>> -> memref<1x4x8192xf32, #tpu.memory_space<hbm>>
      %dma_start3A_168 = tpu.memref_squeeze %dma_start3A_167 : memref<1x4x8192xf32, #tpu.memory_space<hbm>> -> memref<4x8192xf32, #tpu.memory_space<hbm>>
      tpu.enqueue_dma source(%arg7 : memref<4x8192xf32, #tpu.memory_space<vmem>>) target(%dma_start3A_168 : memref<4x8192xf32, #tpu.memory_space<hbm>>) target_semaphore(%arg13 : memref<!tpu.dma_semaphore, #tpu.memory_space<semaphore_mem>>)
      %mul3A_169 = arith.constant 3 : i32
      %mul3A_170 = arith.muli %mul3A_169, %scan3A_91 : i32
      %add3A_171 = arith.constant 2 : i32
      %add3A_172 = arith.addi %mul3A_170, %add3A_171 : i32
      %dma_wait3A_173 = arith.constant 0 : i32
      %dma_wait3A_174 = tpu.memref_slice %arg5[%add3A_172, %dma_wait3A_173] : memref<64x4xi32, #tpu.memory_space<vmem>> -> memref<1x4xi32, #tpu.memory_space<vmem>>
      %dma_wait3A_175 = tpu.memref_squeeze %dma_wait3A_174 : memref<1x4xi32, #tpu.memory_space<vmem>> -> memref<4xi32, #tpu.memory_space<vmem>>
      %dma_wait3A_176 = arith.constant 0 : i32
      %dma_wait3A_177 = arith.constant 0 : i32
      %dma_wait3A_178 = tpu.memref_slice %arg2[%dma_wait3A_176, %dma_wait3A_177] : memref<8192x8192xf32, #tpu.memory_space<hbm>> -> memref<8192x8192xf32, #tpu.memory_space<hbm>>
      tpu.wait_indirect_dma semaphore(%arg11 : memref<!tpu.dma_semaphore, #tpu.memory_space<semaphore_mem>>) src(%dma_wait3A_178 : memref<8192x8192xf32, #tpu.memory_space<hbm>>) dst(%arg8 : memref<4x8192xf32, #tpu.memory_space<vmem>>)
      %ge3A_179 = arith.constant 1 : i32
      %ge3A_180 = arith.cmpi sge, %add3A_172, %ge3A_179 : i32
      %add3A_181 = arith.constant 3 : i32
      %add3A_182 = arith.addi %add3A_172, %add3A_181 : i32
      %sub3A_183 = arith.constant 1 : i32
      %sub3A_184 = arith.subi %add3A_182, %sub3A_183 : i32
      %lt3A_185 = arith.constant 64 : i32
      %lt3A_186 = arith.cmpi slt, %sub3A_184, %lt3A_185 : i32
      %and3A_187 = arith.andi %ge3A_180, %lt3A_186 : i1
      %convert_element_type3A_188 = arith.extui %and3A_187 : i1 to i32
      %cond3A_189 = arith.constant 0 : i32
      %cond3A_190 = arith.cmpi ne, %convert_element_type3A_188, %cond3A_189 : i32
      scf.if %cond3A_190 {
        %sub3A_209 = arith.constant 1 : i32
        %sub3A_210 = arith.subi %add3A_172, %sub3A_209 : i32
        %mul3A_211 = arith.constant 4 : i32
        %mul3A_212 = arith.muli %sub3A_210, %mul3A_211 : i32
        %add3A_213 = arith.addi %mul3A_32, %mul3A_212 : i32
        %dma_wait3A_214 = arith.constant 0 : i32
        %dma_wait3A_215 = tpu.memref_slice %arg4[%select_n3A, %add3A_213, %dma_wait3A_214] : memref<4x2048x8192xf32, #tpu.memory_space<hbm>> -> memref<1x4x8192xf32, #tpu.memory_space<hbm>>
        %dma_wait3A_216 = tpu.memref_squeeze %dma_wait3A_215 : memref<1x4x8192xf32, #tpu.memory_space<hbm>> -> memref<4x8192xf32, #tpu.memory_space<hbm>>
        %dma_wait3A_217 = arith.constant 0 : i32
        %dma_wait3A_218 = tpu.memref_slice %arg4[%select_n3A, %add3A_213, %dma_wait3A_217] : memref<4x2048x8192xf32, #tpu.memory_space<hbm>> -> memref<1x4x8192xf32, #tpu.memory_space<hbm>>
        %dma_wait3A_219 = tpu.memref_squeeze %dma_wait3A_218 : memref<1x4x8192xf32, #tpu.memory_space<hbm>> -> memref<4x8192xf32, #tpu.memory_space<hbm>>
        tpu.wait_dma2 semaphore(%arg13 : memref<!tpu.dma_semaphore, #tpu.memory_space<semaphore_mem>>) src(%arg7 : memref<4x8192xf32, #tpu.memory_space<vmem>>) dst(%dma_wait3A_219 : memref<4x8192xf32, #tpu.memory_space<hbm>>)
      } else {
      }
      %add3A_191 = arith.constant 3 : i32
      %add3A_192 = arith.addi %add3A_172, %add3A_191 : i32
      %sub3A_193 = arith.constant 1 : i32
      %sub3A_194 = arith.subi %add3A_192, %sub3A_193 : i32
      %lt3A_195 = arith.constant 64 : i32
      %lt3A_196 = arith.cmpi slt, %sub3A_194, %lt3A_195 : i32
      %convert_element_type3A_197 = arith.extui %lt3A_196 : i1 to i32
      %cond3A_198 = arith.constant 0 : i32
      %cond3A_199 = arith.cmpi ne, %convert_element_type3A_197, %cond3A_198 : i32
      scf.if %cond3A_199 {
        %add3A_209 = arith.constant 3 : i32
        %add3A_210 = arith.addi %add3A_172, %add3A_209 : i32
        %sub3A_211 = arith.constant 1 : i32
        %sub3A_212 = arith.subi %add3A_210, %sub3A_211 : i32
        %dma_start3A_213 = arith.constant 0 : i32
        %dma_start3A_214 = tpu.memref_slice %arg5[%sub3A_212, %dma_start3A_213] : memref<64x4xi32, #tpu.memory_space<vmem>> -> memref<1x4xi32, #tpu.memory_space<vmem>>
        %dma_start3A_215 = tpu.memref_squeeze %dma_start3A_214 : memref<1x4xi32, #tpu.memory_space<vmem>> -> memref<4xi32, #tpu.memory_space<vmem>>
        %dma_start3A_216 = arith.constant 0 : i32
        %dma_start3A_217 = arith.constant 0 : i32
        %dma_start3A_218 = tpu.memref_slice %arg2[%dma_start3A_216, %dma_start3A_217] : memref<8192x8192xf32, #tpu.memory_space<hbm>> -> memref<8192x8192xf32, #tpu.memory_space<hbm>>
        tpu.enqueue_indirect_dma source(%dma_start3A_218 : memref<8192x8192xf32, #tpu.memory_space<hbm>>) target(%arg7 : memref<4x8192xf32, #tpu.memory_space<vmem>>) offsets(%dma_start3A_215 : memref<4xi32, #tpu.memory_space<vmem>>) semaphore(%arg10 : memref<!tpu.dma_semaphore, #tpu.memory_space<semaphore_mem>>)
      } else {
      }
      %mul3A_200 = arith.constant 4 : i32
      %mul3A_201 = arith.muli %add3A_172, %mul3A_200 : i32
      %add3A_202 = arith.addi %mul3A_32, %mul3A_201 : i32
      %dma_start3A_203 = arith.constant 0 : i32
      %dma_start3A_204 = tpu.memref_slice %arg4[%select_n3A, %add3A_202, %dma_start3A_203] : memref<4x2048x8192xf32, #tpu.memory_space<hbm>> -> memref<1x4x8192xf32, #tpu.memory_space<hbm>>
      %dma_start3A_205 = tpu.memref_squeeze %dma_start3A_204 : memref<1x4x8192xf32, #tpu.memory_space<hbm>> -> memref<4x8192xf32, #tpu.memory_space<hbm>>
      %dma_start3A_206 = arith.constant 0 : i32
      %dma_start3A_207 = tpu.memref_slice %arg4[%select_n3A, %add3A_202, %dma_start3A_206] : memref<4x2048x8192xf32, #tpu.memory_space<hbm>> -> memref<1x4x8192xf32, #tpu.memory_space<hbm>>
      %dma_start3A_208 = tpu.memref_squeeze %dma_start3A_207 : memref<1x4x8192xf32, #tpu.memory_space<hbm>> -> memref<4x8192xf32, #tpu.memory_space<hbm>>
      tpu.enqueue_dma source(%arg8 : memref<4x8192xf32, #tpu.memory_space<vmem>>) target(%dma_start3A_208 : memref<4x8192xf32, #tpu.memory_space<hbm>>) target_semaphore(%arg14 : memref<!tpu.dma_semaphore, #tpu.memory_space<semaphore_mem>>)
    }
    %scan3A_52 = arith.constant 21 : i32
    %dma_wait3A = arith.constant 63 : i32
    %dma_wait3A_53 = arith.constant 0 : i32
    %dma_wait3A_54 = tpu.memref_slice %arg5[%dma_wait3A, %dma_wait3A_53] : memref<64x4xi32, #tpu.memory_space<vmem>> -> memref<1x4xi32, #tpu.memory_space<vmem>>
    %dma_wait3A_55 = tpu.memref_squeeze %dma_wait3A_54 : memref<1x4xi32, #tpu.memory_space<vmem>> -> memref<4xi32, #tpu.memory_space<vmem>>
    %dma_wait3A_56 = arith.constant 0 : i32
    %dma_wait3A_57 = arith.constant 0 : i32
    %dma_wait3A_58 = tpu.memref_slice %arg2[%dma_wait3A_56, %dma_wait3A_57] : memref<8192x8192xf32, #tpu.memory_space<hbm>> -> memref<8192x8192xf32, #tpu.memory_space<hbm>>
    tpu.wait_indirect_dma semaphore(%arg9 : memref<!tpu.dma_semaphore, #tpu.memory_space<semaphore_mem>>) src(%dma_wait3A_58 : memref<8192x8192xf32, #tpu.memory_space<hbm>>) dst(%arg6 : memref<4x8192xf32, #tpu.memory_space<vmem>>)
    %add3A_59 = arith.constant 252 : i32
    %add3A_60 = arith.addi %mul3A_32, %add3A_59 : i32
    %dma_start3A_61 = arith.constant 0 : i32
    %dma_start3A_62 = tpu.memref_slice %arg4[%select_n3A, %add3A_60, %dma_start3A_61] : memref<4x2048x8192xf32, #tpu.memory_space<hbm>> -> memref<1x4x8192xf32, #tpu.memory_space<hbm>>
    %dma_start3A_63 = tpu.memref_squeeze %dma_start3A_62 : memref<1x4x8192xf32, #tpu.memory_space<hbm>> -> memref<4x8192xf32, #tpu.memory_space<hbm>>
    %dma_start3A_64 = arith.constant 0 : i32
    %dma_start3A_65 = tpu.memref_slice %arg4[%select_n3A, %add3A_60, %dma_start3A_64] : memref<4x2048x8192xf32, #tpu.memory_space<hbm>> -> memref<1x4x8192xf32, #tpu.memory_space<hbm>>
    %dma_start3A_66 = tpu.memref_squeeze %dma_start3A_65 : memref<1x4x8192xf32, #tpu.memory_space<hbm>> -> memref<4x8192xf32, #tpu.memory_space<hbm>>
    tpu.enqueue_dma source(%arg6 : memref<4x8192xf32, #tpu.memory_space<vmem>>) target(%dma_start3A_66 : memref<4x8192xf32, #tpu.memory_space<hbm>>) target_semaphore(%arg12 : memref<!tpu.dma_semaphore, #tpu.memory_space<semaphore_mem>>)
    %add3A_67 = arith.constant 244 : i32
    %add3A_68 = arith.addi %mul3A_32, %add3A_67 : i32
    %dma_wait3A_69 = arith.constant 0 : i32
    %dma_wait3A_70 = tpu.memref_slice %arg4[%select_n3A, %add3A_68, %dma_wait3A_69] : memref<4x2048x8192xf32, #tpu.memory_space<hbm>> -> memref<1x4x8192xf32, #tpu.memory_space<hbm>>
    %dma_wait3A_71 = tpu.memref_squeeze %dma_wait3A_70 : memref<1x4x8192xf32, #tpu.memory_space<hbm>> -> memref<4x8192xf32, #tpu.memory_space<hbm>>
    %dma_wait3A_72 = arith.constant 0 : i32
    %dma_wait3A_73 = tpu.memref_slice %arg4[%select_n3A, %add3A_68, %dma_wait3A_72] : memref<4x2048x8192xf32, #tpu.memory_space<hbm>> -> memref<1x4x8192xf32, #tpu.memory_space<hbm>>
    %dma_wait3A_74 = tpu.memref_squeeze %dma_wait3A_73 : memref<1x4x8192xf32, #tpu.memory_space<hbm>> -> memref<4x8192xf32, #tpu.memory_space<hbm>>
    tpu.wait_dma2 semaphore(%arg13 : memref<!tpu.dma_semaphore, #tpu.memory_space<semaphore_mem>>) src(%arg7 : memref<4x8192xf32, #tpu.memory_space<vmem>>) dst(%dma_wait3A_74 : memref<4x8192xf32, #tpu.memory_space<hbm>>)
    %add3A_75 = arith.constant 248 : i32
    %add3A_76 = arith.addi %mul3A_32, %add3A_75 : i32
    %dma_wait3A_77 = arith.constant 0 : i32
    %dma_wait3A_78 = tpu.memref_slice %arg4[%select_n3A, %add3A_76, %dma_wait3A_77] : memref<4x2048x8192xf32, #tpu.memory_space<hbm>> -> memref<1x4x8192xf32, #tpu.memory_space<hbm>>
    %dma_wait3A_79 = tpu.memref_squeeze %dma_wait3A_78 : memref<1x4x8192xf32, #tpu.memory_space<hbm>> -> memref<4x8192xf32, #tpu.memory_space<hbm>>
    %dma_wait3A_80 = arith.constant 0 : i32
    %dma_wait3A_81 = tpu.memref_slice %arg4[%select_n3A, %add3A_76, %dma_wait3A_80] : memref<4x2048x8192xf32, #tpu.memory_space<hbm>> -> memref<1x4x8192xf32, #tpu.memory_space<hbm>>
    %dma_wait3A_82 = tpu.memref_squeeze %dma_wait3A_81 : memref<1x4x8192xf32, #tpu.memory_space<hbm>> -> memref<4x8192xf32, #tpu.memory_space<hbm>>
    tpu.wait_dma2 semaphore(%arg14 : memref<!tpu.dma_semaphore, #tpu.memory_space<semaphore_mem>>) src(%arg8 : memref<4x8192xf32, #tpu.memory_space<vmem>>) dst(%dma_wait3A_82 : memref<4x8192xf32, #tpu.memory_space<hbm>>)
    %add3A_83 = arith.constant 252 : i32
    %add3A_84 = arith.addi %mul3A_32, %add3A_83 : i32
    %dma_wait3A_85 = arith.constant 0 : i32
    %dma_wait3A_86 = tpu.memref_slice %arg4[%select_n3A, %add3A_84, %dma_wait3A_85] : memref<4x2048x8192xf32, #tpu.memory_space<hbm>> -> memref<1x4x8192xf32, #tpu.memory_space<hbm>>
    %dma_wait3A_87 = tpu.memref_squeeze %dma_wait3A_86 : memref<1x4x8192xf32, #tpu.memory_space<hbm>> -> memref<4x8192xf32, #tpu.memory_space<hbm>>
    %dma_wait3A_88 = arith.constant 0 : i32
    %dma_wait3A_89 = tpu.memref_slice %arg4[%select_n3A, %add3A_84, %dma_wait3A_88] : memref<4x2048x8192xf32, #tpu.memory_space<hbm>> -> memref<1x4x8192xf32, #tpu.memory_space<hbm>>
    %dma_wait3A_90 = tpu.memref_squeeze %dma_wait3A_89 : memref<1x4x8192xf32, #tpu.memory_space<hbm>> -> memref<4x8192xf32, #tpu.memory_space<hbm>>
    tpu.wait_dma2 semaphore(%arg12 : memref<!tpu.dma_semaphore, #tpu.memory_space<semaphore_mem>>) src(%arg6 : memref<4x8192xf32, #tpu.memory_space<vmem>>) dst(%dma_wait3A_90 : memref<4x8192xf32, #tpu.memory_space<hbm>>)
    return
  }
}

</mosaic_0001>

<sc_bundles>
// kernel: kernel.3.cloned.1.call-start
scs
__scs_entry_jumppad:
0x0: {  	(pc) =	sbr.rel $0x88, $3  }
0x1: {  	(tag) =	ssettag $0x0;
	lr =	simm.s32 $0x1  }
0x2: {  	[smem:$0x3F9F] =	sst lr;
	_ =	strace $0xD0000000  }
0x3: {  	_ = 	snop  }
0x4: {  	_ = 	snop  }
0x5: {  	_ = 	snop  }
0x6: {  	_ = 	snop  }
0x7: {  	_ = 	snop  }
__scs_overlays_trampoline_lowered:
0x8: {  	[smem:$0x3FAE] =	sst s0  }
0x9: {  	[smem:$0x3FAF] =	sst s1  }
0xa: {  	[smem:$0x3FB0] =	sst s2  }
0xb: {  	[smem:$0x3FB1] =	sst s3  }
0xc: {  	[smem:$0x3FB2] =	sst s4  }
0xd: {  	[smem:$0x3FB3] =	sst s5  }
0xe: {  	[smem:$0x3FB4] =	sst s6  }
0xf: {  	[smem:$0x3FB5] =	sst s7  }
0x10: {  	[smem:$0x3FB6] =	sst s8  }
0x11: {  	[smem:$0x3FB7] =	sst s9;
	s0 =	simm.s32 @!p0 $0x0  }
0x12: {  	s1 =	sld [smem:$0x3F9D];
	s0 =	simm.s32 @p0 $0x1  }
0x13: {  	[smem:$0x3FB8] =	sst s0;
	s0 =	simm.s32 @!p1 $0x0  }
0x14: {  	s2 =	sld [smem:$0x3F9C];
	s0 =	simm.s32 @p1 $0x1  }
0x15: {  	[smem:$0x3FB9] =	sst s0;
	s0 =	simm.s32 @!p2 $0x0  }
0x16: {  	s3 =	sld [smem:$0x3FDB];
	s0 =	simm.s32 @p2 $0x1  }
0x17: {  	s4 =	simm.s32 $0x1BF5;
	[smem:$0x3FBB] =	sst s0  }
0x18: {  	s0 =	sld [smem:$0x3F9E];
	_ =	swait.ge [sflag:s4], $0x0  }
0x19: {  	s7 =	sld [smem:$0x3F9F]  }
0x1a: {  	s8 =	sadd.s32 $0xFFFFE003, lr  }
0x1b: {  	s9 =	sadd.s32 $0xFFFFFEF7, lr;
	s5 =	simm.s32 $0xFFFFFFFF;
	p2 =	slt.u32 s8, $0xFFFFF086  }
0x1c: {  	p1 =	slt.u32 s9, $0xF7A;
	s5 =	simm.s32 @!p2 $0x0  }
0x1d: {  	s5 =	simm.s32 @p1 $0x1;
	p0 =	seq.s32 s7, s2  }
0x1e: {  	s7 =	smul.u32 @!p0 $0xF7A, s2;
	p2 =	seq.s32 @!p0 s5, $0x0  }
0x1f: {  	s9 =	smul.u32 $0xF7A, s1;
	s8 =	simm.s32 @!p0 $0x1BF5;
	p2 =	por !p2, p0  }
0x20: {  	[sflag:s8] =	ssyncset.s32 @!p0 $0xFFFFF086;
	s6 =	sadd.s32 @!p0 s3, s7;
	s7 =	simm.s32 @!p0 $0x108  }
0x21: {  	s3 =	sadd.s32 s3, s9;
	s6 =	sadd.s32 @!p0 $0x88, s6;
	s7 =	simm.s32 @p2 $0x1082  }
0x22: {  	[simem:s7], [sflag:s8] =	dma.local @!p0 [hbm:s6], $0xF7A  }
0x23: {  	s9 =	sor.u32 $0xD0000000, s2;
	s6 =	simm.s32 $0x108;
	_ =	swait.ge @!p0 [sflag:s8], $0x0  }
0x24: {  	s3 =	sadd.s32 $0x88, s3;
	s6 =	simm.s32 @!p1 $0x1082;
	[sflag:s4] =	ssyncset.s32 $0xFFFFF086  }
0x25: {  	[simem:s6], [sflag:s4] =	dma.local [hbm:s3], $0xF7A  }
0x26: {  	[smem:$0x3F9F] =	sst s1;
	(tag) =	ssettag s2;
	_ =	strace s9  }
0x27: {  	s1 =	sld [smem:$0x3FAF]  }
0x28: {  	s2 =	sld [smem:$0x3FB0]  }
0x29: {  	s4 =	sld [smem:$0x3FB2]  }
0x2a: {  	p0 =	seq.s32 s5, $0x0;
	s5 =	sld [smem:$0x3FB3]  }
0x2b: {  	s6 =	sld [smem:$0x3FB4]  }
0x2c: {  	s7 =	sld [smem:$0x3FB5]  }
0x2d: {  	s3 =	simm.s32 $0x108;
	s8 =	sld [smem:$0x3FB6]  }
0x2e: {  	s3 =	simm.s32 @!p0 $0x1082;
	s9 =	sld [smem:$0x3FB7]  }
0x2f: {  	lr =	sadd.s32 s0, s3;
	s0 =	sld [smem:$0x3FAE]  }
0x30: {  	s3 =	sld [smem:$0x3FB1]  }
0x31: {  	[smem:$0x3FBA] =	sst s10  }
0x32: {  	s10 =	sld [smem:$0x3FB8];
	_ =	sdelay $0x3  }
0x33: {  	p0 =	seq.s32 s10, $0x1;
	s10 =	sld [smem:$0x3FBA];
	_ =	sdelay $0x3  }
0x34: {  	[smem:$0x3FBA] =	sst s10  }
0x35: {  	s10 =	sld [smem:$0x3FB9];
	_ =	sdelay $0x3  }
0x36: {  	p1 =	seq.s32 s10, $0x1;
	s10 =	sld [smem:$0x3FBA];
	_ =	sdelay $0x3  }
0x37: {  	[smem:$0x3FBA] =	sst s10  }
0x38: {  	s10 =	sld [smem:$0x3FBB]  }
0x39: {  	_ = 	snop;
	(pc) =	sbr.ind lr, $3  }
0x3a: {  	_ = 	snop  }
0x3b: {  	_ = 	snop  }
0x3c: {  	p2 =	seq.s32 s10, $0x1;
	s10 =	sld [smem:$0x3FBA]  }
0x3d: {  	_ =	shalt  }
0x3e: {  	_ =	shalt  }
0x3f: {  	_ =	shalt  }
0x40: {  	_ =	shalt  }
0x41: {  	_ =	shalt  }
0x42: {  	_ =	shalt  }
0x43: {  	_ =	shalt  }
0x44: {  	_ =	shalt  }
0x45: {  	_ =	shalt  }
0x46: {  	_ =	shalt  }
0x47: {  	_ =	shalt  }
0x48: {  	_ =	shalt  }
0x49: {  	_ =	shalt  }
0x4a: {  	_ =	shalt  }
0x4b: {  	_ =	shalt  }
0x4c: {  	_ =	shalt  }
0x4d: {  	_ =	shalt  }
0x4e: {  	_ =	shalt  }
0x4f: {  	_ =	shalt  }
0x50: {  	_ =	shalt  }
0x51: {  	_ =	shalt  }
0x52: {  	_ =	shalt  }
0x53: {  	_ =	shalt  }
0x54: {  	_ =	shalt  }
0x55: {  	_ =	shalt  }
0x56: {  	_ =	shalt  }
0x57: {  	_ =	shalt  }
0x58: {  	_ =	shalt  }
0x59: {  	_ =	shalt  }
0x5a: {  	_ =	shalt  }
0x5b: {  	_ =	shalt  }
0x5c: {  	_ =	shalt  }
0x5d: {  	_ =	shalt  }
0x5e: {  	_ =	shalt  }
0x5f: {  	_ =	shalt  }
0x60: {  	_ =	shalt  }
0x61: {  	_ =	shalt  }
0x62: {  	_ =	shalt  }
0x63: {  	_ =	shalt  }
0x64: {  	_ =	shalt  }
0x65: {  	_ =	shalt  }
0x66: {  	_ =	shalt  }
0x67: {  	_ =	shalt  }
0x68: {  	_ =	shalt  }
0x69: {  	_ =	shalt  }
0x6a: {  	_ =	shalt  }
0x6b: {  	_ =	shalt  }
0x6c: {  	_ =	shalt  }
0x6d: {  	_ =	shalt  }
0x6e: {  	_ =	shalt  }
0x6f: {  	_ =	shalt  }
0x70: {  	_ =	shalt  }
0x71: {  	_ =	shalt  }
0x72: {  	_ =	shalt  }
0x73: {  	_ =	shalt  }
0x74: {  	_ =	shalt  }
0x75: {  	_ =	shalt  }
0x76: {  	_ =	shalt  }
0x77: {  	_ =	shalt  }
0x78: {  	_ =	shalt  }
0x79: {  	_ =	shalt  }
0x7a: {  	_ =	shalt  }
0x7b: {  	_ =	shalt  }
0x7c: {  	_ =	shalt  }
0x7d: {  	_ =	shalt  }
0x7e: {  	_ =	shalt  }
0x7f: {  	_ =	shalt  }
0x80: {  	_ =	shalt  }
0x81: {  	_ =	shalt  }
0x82: {  	_ =	shalt  }
0x83: {  	_ =	shalt  }
0x84: {  	_ =	shalt  }
0x85: {  	_ =	shalt  }
0x86: {  	_ =	shalt  }
0x87: {  	_ =	shalt  }
.Lfunc_end0:
.L_simem_size_0:
called_computation_lowered:
.L_overlay_start_0:
0x88: {  	s2 =	sld [smem:$0x3FD9]  }
0x89: {  	s3 =	sld [smem:$0x3FFE];
	_ =	sdelay $0x1  }
0x8a: {  	s1 =	srdreg.scid  }
0x8b: {  	s0 =	sand.u32 $0x1, s1  }
0x8c: {  	s17 =	sshll.u32 s0, $0xA;
	s2 =	sadd.s32 s3, s2  }
0x8d: {  	s2 =	sadd.s32 s2, s17  }
0x8e: {  	[smem:$0x3FC6] =	sst s2  }
0x8f: {  	_ = 	snop  }
0x90: {  	s2 =	sld [smem:$0x3FC8]  }
0x91: {  	s18 =	sld [smem:$0x3FD0];
	(tm) =	ssettm $0x1  }
0x92: {  	s4 =	sld [smem:$0x3FFB];
	_ =	sdelay $0x3  }
0x93: {  	_ =	strace s4  }
0x94: {  	s4 =	sld [smem:$0x3FFC];
	_ =	sdelay $0x3  }
0x95: {  	_ =	strace s4  }
0x96: {  	s4 =	sld [smem:$0x3FFD];
	_ =	sdelay $0x3  }
0x97: {  	_ =	strace s4  }
0x98: {  	_ =	strace $0x8FFFFFFF  }
0x99: {  	s19 =	sld [smem:$0x3FDB];
	_ =	sdelay $0x1  }
0x9a: {  	s5 =	simm.s32 $_scs_section_size  }
0x9b: {  	s6 =	simm.s32 $_size__tile_overlayer_lowered;
	s7 =	simm.s32 $_tile_overlayer_lowered  }
0x9c: {  	s22 =	simm.s32 $0x1BFF;
	s21 =	sshll.u32 s7, $0x1;
	s4 =	sadd.s32 s5, s19  }
0x9d: {  	s8 =	simm.s32 $0x0;
	s20 =	sshll.u32 s6, $0x1;
	s6 =	sadd.s32 s21, s4  }
0x9e: {  	[timem:s8], [sflag:s22] =	dma.local [hbm:s6], s20  }
0x9f: {  	_ =	swait.ge [sflag:s22], s20  }
0xa0: {  	s5 =	ssub.s32 $0x0, s20;
	[sflag:s22] =	ssyncset.done $0x0  }
0xa1: {  	[sflag:s22] =	ssyncadd.s32 s5;
	_ =	sdelay $0x1  }
0xa2: {  	s23 =	simm.s32 $0x1B8B  }
0xa3: {  	_ =	swait.ge [sflag:s23], $0x1  }
0xa4: {  	[sflag:s23] =	ssyncset.done $0x0  }
0xa5: {  	s25 =	simm.s32 $0x1B8E;
	s24 =	sld [smem:$0x3FFE];
	[sflag:s23] =	ssyncadd.s32 $0xFFFFFFFF  }
0xa6: {  	s26 =	simm.s32 $execute0_lowered;
	[smem:$0x3FD2] =	sst s25  }
0xa7: {  	s6 =	sshll.u32 s26, $0x1;
	_ =	strace $0x80000046;
	[dreg:$0x1] =	wrdreg $0xFFFFFFFF  }
0xa8: {  	s28 =	simm.s32 $_size_execute0_lowered;
	s4 =	sadd.s32 s4, s6;
	[dreg:$0x0] =	wrdreg $0x0  }
0xa9: {  	s6 =	sshll.u32 s28, $0x1;
	[dreg:$0x2] =	wrdreg s4  }
0xaa: {  	[dreg:$0x3] =	wrdreg s6  }
0xab: {  	[dreg:$0x4] =	wrdreg $0xC0  }
0xac: {  	_ =	task [dreg:s8], $0x5FFFF  }
0xad: {  	[dreg:$0x1] =	wrdreg $0xFFFFFFFF  }
0xae: {  	[dreg:$0x0] =	wrdreg $0x60  }
0xaf: {  	[dreg:$0x2] =	wrdreg s2  }
0xb0: {  	[dreg:$0x3] =	wrdreg s24  }
0xb1: {  	[dreg:$0x4] =	wrdreg s18  }
0xb2: {  	[dreg:$0x5] =	wrdreg $0x9  }
0xb3: {  	_ =	task.clear_ibuf [dreg:s8], $0x6FFFF;
	_ =	strace $0x90000046  }
0xb4: {  	s29 =	simm.s32 $0x9;
	_ =	strace $0x80000048  }
0xb5: {  	_ =	swait.ge [sflag:s29], $0x1  }
0xb6: {  	[sflag:s29] =	ssyncadd.s32 $0xFFFFFFFF  }
0xb7: {  	_ =	strace $0x90000048  }
0xb8: {  	_ =	sfence  }
0xb9: {  	s30 =	sld [smem:$0x0];
	_ =	sdelay $0x2  }
0xba: {  	s31 =	sshll.u32 s1, $0xD;
	s1 =	sshrl.u32 s1, $0x2  }
0xbb: {  	s3 =	sand.u32 $0x4000, s31;
	s1 =	sadd.s32 s1, s30  }
0xbc: {  	s0 =	sor.u32 s3, s0;
	s1 =	sshll.u32 s1, $0x11  }
0xbd: {  	s0 =	sor.u32 s1, s0  }
0xbe: {  	s0 =	sadd.s32 $0x8F2B, s0  }
0xbf: {  	[sflag:s0] =	ssyncadd.remote.s32 $0x1  }
0xc0: {  	_ =	sfence.sel $0xFFFF  }
0xc1: {  	[dreg:$0x0] =	wrdreg $0xFFFFFFFF;
	(pc) =	sbr.abs _section_cstart, $3  }
0xc2: {  	[dreg:$0x1] =	wrdreg $0xFFFFFFFF  }
0xc3: {  	_ =	task.clear_ibuf [dreg:s8], $0x2FFFF;
	_ =	strace $0x9FFFFFFF  }
0xc4: {  	(tm) =	ssettm $0x7FFFFFFF  }
0xc5: {  	_ =	shalt  }
tec
execute0_lowered:
.L_overlay_start_1:
0x0: {  	(tag) =	ssettag $0x1  }
0x1: {  	s1 =	rddreg [dreg:$0x0]  }
0x2: {  	s0 =	rddreg [dreg:$0x1]  }
0x3: {  	s25 =	rddreg [dreg:$0x2]  }
0x4: {  	s2 =	srdreg.scid;
	s3 =	stileid.u32;
	s4 =	simm.s32 $0x0  }
0x5: {  	s17 =	simm.s32 $0x12800;
	s18 =	simm.s32 $0x13000;
	s19 =	simm.s32 $0x13800  }
0x6: {  	s20 =	simm.s32 $0x14000;
	s21 =	simm.s32 $0x14800;
	s23 =	simm.s32 $0x15000  }
0x7: {  	s24 =	simm.s32 $0x15800;
	s26 =	simm.s32 $0x16000;
	s28 =	simm.s32 $0x4000  }
0x8: {  	s29 =	simm.s32 $0x4800;
	s30 =	simm.s32 $0x5000;
	s31 =	simm.s32 $0x5800  }
0x9: {  	s2 =	sand.u32 $0x1, s2;
	s5 =	sshll.u32 s3, $0x1;
	[smem:$0x7FF] =	sst s4  }
0xa: {  	s22 =	sshrl.u32 s3, $0x2;
	_ =	strace $0x80000047;
	[dreg:$0x5] =	wrdreg s17  }
0xb: {  	s8 =	sadd.s32 $0x600, s1;
	s9 =	sadd.s32 $0x800, s1;
	[dreg:$0x6] =	wrdreg s18  }
0xc: {  	s10 =	sadd.s32 $0xA00, s1;
	s11 =	sadd.s32 $0xC00, s1;
	[dreg:$0x7] =	wrdreg s19  }
0xd: {  	s12 =	sadd.s32 $0xE00, s1;
	s13 =	sadd.s32 $0x1000, s1;
	[dreg:$0x8] =	wrdreg s20  }
0xe: {  	s14 =	sadd.s32 $0x1200, s1;
	s15 =	sadd.s32 $0x1400, s1;
	[dreg:$0x9] =	wrdreg s21  }
0xf: {  	s3 =	simm.s32 $0x16800;
	s5 =	sor.u32 s2, s5;
	[dreg:$0xa] =	wrdreg s23  }
0x10: {  	s2 =	ssub.s32 $0x2, s2;
	s17 =	sadd.s32 $0x1800, s1;
	[dreg:$0xb] =	wrdreg s24  }
0x11: {  	s18 =	sadd.s32 $0x1A00, s1;
	s19 =	sadd.s32 $0x1C00, s1;
	[dreg:$0xc] =	wrdreg s26  }
0x12: {  	s20 =	sadd.s32 $0x1E00, s1;
	s21 =	sshll.u32 s22, $0x18;
	[dreg:$0xd] =	wrdreg s3  }
0x13: {  	s23 =	simm.s32 $0x17000;
	s22 =	sshll.u32 s22, $0x15;
	s24 =	simm.s32 $0x17800  }
0x14: {  	s26 =	simm.s32 $0x18000;
	s3 =	simm.s32 $0x18800;
	[dreg:$0xe] =	wrdreg s23  }
0x15: {  	s6 =	sshll.u32 s5, $0xA;
	s7 =	sshrl.u32 s2, $0x1;
	[dreg:$0xf] =	wrdreg s24  }
0x16: {  	s5 =	sand.u32 $0x7, s5;
	s22 =	sadd.s32 s22, s25;
	[dreg:$0x10] =	wrdreg s26  }
0x17: {  	[dreg:$0x11] =	wrdreg s3;
	s23 =	simm.s32 $0x19000;
	s26 =	simm.s32 $0x19800  }
0x18: {  	s3 =	simm.s32 $0x3000;
	s0 =	sadd.s32 s6, s0;
	s2 =	ssub.s32 s2, s7  }
0x19: {  	s6 =	sadd.s32 $0x200, s1;
	s7 =	sadd.s32 $0x400, s1;
	[dreg:$0x12] =	wrdreg s23  }
0x1a: {  	s16 =	sshll.u32 s5, $0x15;
	s5 =	sshll.u32 s5, $0x12;
	[dreg:$0x13] =	wrdreg s26  }
0x1b: {  	s23 =	simm.s32 $0x2000;
	s26 =	simm.s32 $0x200;
	s0 =	sadd.s32 $0x400, s0  }
0x1c: {  	[dreg:$0x4] =	wrdreg s16;
	s16 =	sadd.s32 $0x1600, s1;
	s5 =	sadd.s32 s5, s22  }
0x1d: {  	v0 =	vlaneseq.u32;
	s2 =	smax.u32 s2, $0x1;
	s22 =	simm.s32 $0x2800;
	[dreg:$0x14] =	wrdreg s0  }
0x1e: {  	v1 =	vshrl.u32 v0, $0x2;
	s24 =	sadd.s32 $0x3E040, s5;
	[dreg:$0x16] =	wrdreg s2;
	s5 =	simm.s32 $0x3800  }
0x1f: {  	vm0 =	vmmov $0xffff;
	v0 =	vand.u32 $0x3, v0;
	v1 =	vmul.u32 $0x8, v1;
	s0 =	simm.s32 $0x0;
	[dreg:$0x15] =	wrdreg s24;
	s24 =	simm.s32 $0x400  }
.LBB2_1:
0x20: {  	[dreg:$0x17] =	wrdreg s0  }
0x21: {  	s2 =	rddreg [dreg:$0x14];
	s0 =	simm.s32 $0x7  }
0x22: {  	[tilespmem:s4], [sflag:$0x7] =	stream.linear.gather [hbm4b:s2+s4], $0x2000, $0x38;
	[tilespmem:$0x1A000] =	vst v63  }
0x23: {  	_ =	swait.ge [sflag:s0], $0x2000  }
0x24: {  	[sflag:s0] =	ssyncset.done $0x0  }
0x25: {  	[sflag:s0] =	ssyncadd.s32 $0xFFFFE000  }
0x26: {  	v2 =	vld.msk [tilespmem:$0x0], $0xf;
	_ =	sdelay $0x4  }
0x27: {  	v3 =	vshll.u32 v2, $0x6  }
0x28: {  	v2 =	vand.u32 $0x7, v2;
	v3 =	vand.u32 $0xFFFFFE00, v3  }
0x29: {  	v2 =	vor.u32 v2, v3  }
0x2a: {  	v2 =	vperm.xlane v2, v0;
	_ =	sdelay $0x1  }
0x2b: {  	v2 =	vadd.s32 v1, v2;
	_ =	sdelay $0x4  }
0x2c: {  	[tilespmem:s23], [sflag:$0x1] =	stream.indirect_vreg.gather [hbm4b:s1+s4], $0x80, v2, vm0, $0xb8;
	[tilespmem:$0x1A000] =	vst v63  }
0x2d: {  	_ = 	snop  }
0x2e: {  	[tilespmem:s22], [sflag:$0x1] =	stream.indirect_vreg.gather [hbm4b:s6+s4], $0x80, v2, vm0, $0xb8;
	[tilespmem:$0x1A000] =	vst v63  }
0x2f: {  	_ = 	snop  }
0x30: {  	[tilespmem:s3], [sflag:$0x1] =	stream.indirect_vreg.gather [hbm4b:s7+s4], $0x80, v2, vm0, $0xb8;
	[tilespmem:$0x1A000] =	vst v63  }
0x31: {  	_ = 	snop  }
0x32: {  	[tilespmem:s5], [sflag:$0x1] =	stream.indirect_vreg.gather [hbm4b:s8+s4], $0x80, v2, vm0, $0xb8;
	[tilespmem:$0x1A000] =	vst v63  }
0x33: {  	_ = 	snop  }
0x34: {  	[tilespmem:s28], [sflag:$0x1] =	stream.indirect_vreg.gather [hbm4b:s9+s4], $0x80, v2, vm0, $0xb8;
	[tilespmem:$0x1A000] =	vst v63  }
0x35: {  	_ = 	snop  }
0x36: {  	[tilespmem:s29], [sflag:$0x1] =	stream.indirect_vreg.gather [hbm4b:s10+s4], $0x80, v2, vm0, $0xb8;
	[tilespmem:$0x1A000] =	vst v63  }
0x37: {  	_ = 	snop  }
0x38: {  	[tilespmem:s30], [sflag:$0x1] =	stream.indirect_vreg.gather [hbm4b:s11+s4], $0x80, v2, vm0, $0xb8;
	[tilespmem:$0x1A000] =	vst v63  }
0x39: {  	_ = 	snop  }
0x3a: {  	[tilespmem:s31], [sflag:$0x1] =	stream.indirect_vreg.gather [hbm4b:s12+s4], $0x80, v2, vm0, $0xb8;
	[tilespmem:$0x1A000] =	vst v63  }
0x3b: {  	s2 =	simm.s32 $0x6000  }
0x3c: {  	[tilespmem:s2], [sflag:$0x1] =	stream.indirect_vreg.gather [hbm4b:s13+s4], $0x80, v2, vm0, $0xb8;
	[tilespmem:$0x1A000] =	vst v63  }
0x3d: {  	s3 =	simm.s32 $0x6800  }
0x3e: {  	[tilespmem:s3], [sflag:$0x1] =	stream.indirect_vreg.gather [hbm4b:s14+s4], $0x80, v2, vm0, $0xb8;
	[tilespmem:$0x1A000] =	vst v63  }
0x3f: {  	s5 =	simm.s32 $0x7000  }
0x40: {  	[tilespmem:s5], [sflag:$0x1] =	stream.indirect_vreg.gather [hbm4b:s15+s4], $0x80, v2, vm0, $0xb8;
	[tilespmem:$0x1A000] =	vst v63  }
0x41: {  	s22 =	simm.s32 $0x7800  }
0x42: {  	[tilespmem:s22], [sflag:$0x1] =	stream.indirect_vreg.gather [hbm4b:s16+s4], $0x80, v2, vm0, $0xb8;
	[tilespmem:$0x1A000] =	vst v63  }
0x43: {  	s23 =	simm.s32 $0x8000  }
0x44: {  	[tilespmem:s23], [sflag:$0x1] =	stream.indirect_vreg.gather [hbm4b:s17+s4], $0x80, v2, vm0, $0xb8;
	[tilespmem:$0x1A000] =	vst v63  }
0x45: {  	s31 =	simm.s32 $0x8800  }
0x46: {  	[tilespmem:s31], [sflag:$0x1] =	stream.indirect_vreg.gather [hbm4b:s18+s4], $0x80, v2, vm0, $0xb8;
	[tilespmem:$0x1A000] =	vst v63  }
0x47: {  	s2 =	simm.s32 $0x9000  }
0x48: {  	[tilespmem:s2], [sflag:$0x1] =	stream.indirect_vreg.gather [hbm4b:s19+s4], $0x80, v2, vm0, $0xb8;
	[tilespmem:$0x1A000] =	vst v63  }
0x49: {  	s3 =	simm.s32 $0x9800  }
0x4a: {  	[tilespmem:s3], [sflag:$0x1] =	stream.indirect_vreg.gather [hbm4b:s20+s4], $0x80, v2, vm0, $0xb8;
	[tilespmem:$0x1A000] =	vst v63  }
0x4b: {  	v2 =	vld.msk [tilespmem:$0x80], $0xf;
	_ =	sdelay $0x4  }
0x4c: {  	v3 =	vshll.u32 v2, $0x6  }
0x4d: {  	v2 =	vand.u32 $0x7, v2;
	v3 =	vand.u32 $0xFFFFFE00, v3  }
0x4e: {  	v2 =	vor.u32 v2, v3  }
0x4f: {  	v2 =	vperm.xlane v2, v0;
	_ =	sdelay $0x1  }
0x50: {  	v2 =	vadd.s32 v1, v2;
	_ =	sdelay $0x3  }
0x51: {  	s5 =	simm.s32 $0xA000  }
0x52: {  	[tilespmem:s5], [sflag:$0x2] =	stream.indirect_vreg.gather [hbm4b:s1+s4], $0x80, v2, vm0, $0xb8;
	[tilespmem:$0x1A000] =	vst v63  }
0x53: {  	s22 =	simm.s32 $0xA800  }
0x54: {  	[tilespmem:s22], [sflag:$0x2] =	stream.indirect_vreg.gather [hbm4b:s6+s4], $0x80, v2, vm0, $0xb8;
	[tilespmem:$0x1A000] =	vst v63  }
0x55: {  	s23 =	simm.s32 $0xB000  }
0x56: {  	[tilespmem:s23], [sflag:$0x2] =	stream.indirect_vreg.gather [hbm4b:s7+s4], $0x80, v2, vm0, $0xb8;
	[tilespmem:$0x1A000] =	vst v63  }
0x57: {  	s31 =	simm.s32 $0xB800  }
0x58: {  	[tilespmem:s31], [sflag:$0x2] =	stream.indirect_vreg.gather [hbm4b:s8+s4], $0x80, v2, vm0, $0xb8;
	[tilespmem:$0x1A000] =	vst v63  }
0x59: {  	s0 =	simm.s32 $0xC000  }
0x5a: {  	[tilespmem:s0], [sflag:$0x2] =	stream.indirect_vreg.gather [hbm4b:s9+s4], $0x80, v2, vm0, $0xb8;
	[tilespmem:$0x1A000] =	vst v63  }
0x5b: {  	s3 =	simm.s32 $0xC800  }
0x5c: {  	[tilespmem:s3], [sflag:$0x2] =	stream.indirect_vreg.gather [hbm4b:s10+s4], $0x80, v2, vm0, $0xb8;
	[tilespmem:$0x1A000] =	vst v63  }
0x5d: {  	s5 =	simm.s32 $0xD000  }
0x5e: {  	[tilespmem:s5], [sflag:$0x2] =	stream.indirect_vreg.gather [hbm4b:s11+s4], $0x80, v2, vm0, $0xb8;
	[tilespmem:$0x1A000] =	vst v63  }
0x5f: {  	s22 =	simm.s32 $0xD800  }
0x60: {  	[tilespmem:s22], [sflag:$0x2] =	stream.indirect_vreg.gather [hbm4b:s12+s4], $0x80, v2, vm0, $0xb8;
	[tilespmem:$0x1A000] =	vst v63  }
0x61: {  	s23 =	simm.s32 $0xE000  }
0x62: {  	[tilespmem:s23], [sflag:$0x2] =	stream.indirect_vreg.gather [hbm4b:s13+s4], $0x80, v2, vm0, $0xb8;
	[tilespmem:$0x1A000] =	vst v63  }
0x63: {  	s31 =	simm.s32 $0xE800  }
0x64: {  	[tilespmem:s31], [sflag:$0x2] =	stream.indirect_vreg.gather [hbm4b:s14+s4], $0x80, v2, vm0, $0xb8;
	[tilespmem:$0x1A000] =	vst v63  }
0x65: {  	s0 =	simm.s32 $0xF000  }
0x66: {  	[tilespmem:s0], [sflag:$0x2] =	stream.indirect_vreg.gather [hbm4b:s15+s4], $0x80, v2, vm0, $0xb8;
	[tilespmem:$0x1A000] =	vst v63  }
0x67: {  	s3 =	simm.s32 $0xF800  }
0x68: {  	[tilespmem:s3], [sflag:$0x2] =	stream.indirect_vreg.gather [hbm4b:s16+s4], $0x80, v2, vm0, $0xb8;
	[tilespmem:$0x1A000] =	vst v63  }
0x69: {  	s5 =	simm.s32 $0x10000  }
0x6a: {  	[tilespmem:s5], [sflag:$0x2] =	stream.indirect_vreg.gather [hbm4b:s17+s4], $0x80, v2, vm0, $0xb8;
	[tilespmem:$0x1A000] =	vst v63  }
0x6b: {  	s28 =	simm.s32 $0x0;
	s22 =	simm.s32 $0x10800  }
0x6c: {  	[tilespmem:s22], [sflag:$0x2] =	stream.indirect_vreg.gather [hbm4b:s18+s4], $0x80, v2, vm0, $0xb8;
	[tilespmem:$0x1A000] =	vst v63  }
0x6d: {  	s29 =	simm.s32 $0x0;
	s30 =	simm.s32 $0x0;
	s23 =	simm.s32 $0x11000  }
0x6e: {  	[tilespmem:s23], [sflag:$0x2] =	stream.indirect_vreg.gather [hbm4b:s19+s4], $0x80, v2, vm0, $0xb8;
	[tilespmem:$0x1A000] =	vst v63  }
0x6f: {  	s31 =	simm.s32 $0x11800;
	s3 =	simm.s32 $0x12000;
	s5 =	smov.u32 s1  }
0x70: {  	[tilespmem:s31], [sflag:$0x2] =	stream.indirect_vreg.gather [hbm4b:s20+s4], $0x80, v2, vm0, $0xb8;
	[tilespmem:$0x1A000] =	vst v63  }
.LBB2_2:
0x71: {  	s0 =	simm.s32 $0x1  }
0x72: {  	_ =	swait.ge [sflag:s0], $0x8000  }
0x73: {  	p0 =	seq.s32 s30, $0x0;
	[sflag:s0] =	ssyncset.done $0x0  }
0x74: {  	s1 =	smov.u32 s25;
	s25 =	simm.s32 @!p0 $0x6;
	[sflag:s0] =	ssyncadd.s32 $0xFFFF8000  }
0x75: {  	_ =	swait.ge @!p0 [sflag:s25], $0x8000  }
0x76: {  	[sflag:s25] =	ssyncset.done @!p0 $0x0  }
0x77: {  	s2 =	sshra.s32 s28, $0x2;
	[sflag:s25] =	ssyncadd.s32 @!p0 $0xFFFF8000  }
0x78: {  	v2 =	vld.msk [tilespmem:s2+$0x100], $0xf;
	_ =	sdelay $0x4  }
0x79: {  	v3 =	vshll.u32 v2, $0x6  }
0x7a: {  	v2 =	vand.u32 $0x7, v2;
	v3 =	vand.u32 $0xFFFFFE00, v3  }
0x7b: {  	v2 =	vor.u32 v2, v3  }
0x7c: {  	v2 =	vperm.xlane v2, v0;
	_ =	sdelay $0x1  }
0x7d: {  	v2 =	vadd.s32 v1, v2;
	_ =	sdelay $0x4  }
0x7e: {  	[tilespmem:s3], [sflag:$0x3] =	stream.indirect_vreg.gather [hbm4b:s5+s4], $0x80, v2, vm0, $0xb8;
	[tilespmem:$0x1A000] =	vst v63  }
0x7f: {  	s22 =	rddreg [dreg:$0x5]  }
0x80: {  	[tilespmem:s22], [sflag:$0x3] =	stream.indirect_vreg.gather [hbm4b:s6+s4], $0x80, v2, vm0, $0xb8;
	[tilespmem:$0x1A000] =	vst v63  }
0x81: {  	s31 =	rddreg [dreg:$0x6]  }
0x82: {  	[tilespmem:s31], [sflag:$0x3] =	stream.indirect_vreg.gather [hbm4b:s7+s4], $0x80, v2, vm0, $0xb8;
	[tilespmem:$0x1A000] =	vst v63  }
0x83: {  	s23 =	rddreg [dreg:$0x7]  }
0x84: {  	[tilespmem:s23], [sflag:$0x3] =	stream.indirect_vreg.gather [hbm4b:s8+s4], $0x80, v2, vm0, $0xb8;
	[tilespmem:$0x1A000] =	vst v63  }
0x85: {  	s31 =	rddreg [dreg:$0x8]  }
0x86: {  	[tilespmem:s31], [sflag:$0x3] =	stream.indirect_vreg.gather [hbm4b:s9+s4], $0x80, v2, vm0, $0xb8;
	[tilespmem:$0x1A000] =	vst v63  }
0x87: {  	s0 =	rddreg [dreg:$0x9]  }
0x88: {  	[tilespmem:s0], [sflag:$0x3] =	stream.indirect_vreg.gather [hbm4b:s10+s4], $0x80, v2, vm0, $0xb8;
	[tilespmem:$0x1A000] =	vst v63  }
0x89: {  	s31 =	rddreg [dreg:$0xa]  }
0x8a: {  	[tilespmem:s31], [sflag:$0x3] =	stream.indirect_vreg.gather [hbm4b:s11+s4], $0x80, v2, vm0, $0xb8;
	[tilespmem:$0x1A000] =	vst v63  }
0x8b: {  	s3 =	rddreg [dreg:$0xb]  }
0x8c: {  	[tilespmem:s3], [sflag:$0x3] =	stream.indirect_vreg.gather [hbm4b:s12+s4], $0x80, v2, vm0, $0xb8;
	[tilespmem:$0x1A000] =	vst v63  }
0x8d: {  	s31 =	rddreg [dreg:$0xc]  }
0x8e: {  	[tilespmem:s31], [sflag:$0x3] =	stream.indirect_vreg.gather [hbm4b:s13+s4], $0x80, v2, vm0, $0xb8;
	[tilespmem:$0x1A000] =	vst v63  }
0x8f: {  	s22 =	rddreg [dreg:$0xd]  }
0x90: {  	[tilespmem:s22], [sflag:$0x3] =	stream.indirect_vreg.gather [hbm4b:s14+s4], $0x80, v2, vm0, $0xb8;
	[tilespmem:$0x1A000] =	vst v63  }
0x91: {  	s31 =	rddreg [dreg:$0xe]  }
0x92: {  	[tilespmem:s31], [sflag:$0x3] =	stream.indirect_vreg.gather [hbm4b:s15+s4], $0x80, v2, vm0, $0xb8;
	[tilespmem:$0x1A000] =	vst v63  }
0x93: {  	s23 =	rddreg [dreg:$0xf]  }
0x94: {  	[tilespmem:s23], [sflag:$0x3] =	stream.indirect_vreg.gather [hbm4b:s16+s4], $0x80, v2, vm0, $0xb8;
	[tilespmem:$0x1A000] =	vst v63  }
0x95: {  	s31 =	rddreg [dreg:$0x10]  }
0x96: {  	[tilespmem:s31], [sflag:$0x3] =	stream.indirect_vreg.gather [hbm4b:s17+s4], $0x80, v2, vm0, $0xb8;
	[tilespmem:$0x1A000] =	vst v63  }
0x97: {  	s0 =	rddreg [dreg:$0x11]  }
0x98: {  	[tilespmem:s0], [sflag:$0x3] =	stream.indirect_vreg.gather [hbm4b:s18+s4], $0x80, v2, vm0, $0xb8;
	[tilespmem:$0x1A000] =	vst v63  }
0x99: {  	s31 =	rddreg [dreg:$0x12]  }
0x9a: {  	[tilespmem:s31], [sflag:$0x3] =	stream.indirect_vreg.gather [hbm4b:s19+s4], $0x80, v2, vm0, $0xb8;
	[tilespmem:$0x1A000] =	vst v63  }
0x9b: {  	s31 =	rddreg [dreg:$0x4]  }
0x9c: {  	s3 =	rddreg [dreg:$0x13];
	s25 =	sadd.s32 s30, s31  }
0x9d: {  	[tilespmem:s3], [sflag:$0x3] =	stream.indirect_vreg.gather [hbm4b:s20+s4], $0x80, v2, vm0, $0xb8;
	[tilespmem:$0x1A000] =	vst v63  }
0x9e: {  	s31 =	sand.u32 $0x1FF0000, s25  }
0x9f: {  	s22 =	sadd.s32 s21, s31;
	s31 =	sand.u32 $0x200, s29  }
0xa0: {  	s3 =	sor.u32 s31, s22  }
0xa1: {  	s3 =	sshrl.u32 s3, $0x3  }
0xa2: {  	s23 =	simm.s32 $0x2;
	s22 =	simm.s32 $0x2000;
	s3 =	sadd.s32 s1, s3  }
0xa3: {  	[hbm4b:s3+s26] =	stream.strided.scatter [tilespmem:s22], [sflag:$0x4], $0x8000, s24, s26, $0x38;
	[tilespmem:$0x1A000] =	vst v63  }
0xa4: {  	_ =	swait.ge [sflag:s23], $0x8000  }
0xa5: {  	[sflag:s23] =	ssyncset.done $0x0  }
0xa6: {  	s0 =	simm.s32 $0x4;
	[sflag:s23] =	ssyncadd.s32 $0xFFFF8000  }
0xa7: {  	_ =	swait.ge [sflag:s0], $0x8000  }
0xa8: {  	[sflag:s0] =	ssyncset.done $0x0  }
0xa9: {  	[sflag:s0] =	ssyncadd.s32 $0xFFFF8000  }
0xaa: {  	v2 =	vld.msk [tilespmem:s2+$0x180], $0xf;
	_ =	sdelay $0x4  }
0xab: {  	v3 =	vshll.u32 v2, $0x6  }
0xac: {  	v2 =	vand.u32 $0x7, v2;
	v3 =	vand.u32 $0xFFFFFE00, v3  }
0xad: {  	v2 =	vor.u32 v2, v3  }
0xae: {  	v2 =	vperm.xlane v2, v0;
	_ =	sdelay $0x1  }
0xaf: {  	v2 =	vadd.s32 v1, v2;
	_ =	sdelay $0x4  }
0xb0: {  	[tilespmem:s22], [sflag:$0x1] =	stream.indirect_vreg.gather [hbm4b:s5+s4], $0x80, v2, vm0, $0xb8;
	[tilespmem:$0x1A000] =	vst v63  }
0xb1: {  	s22 =	simm.s32 $0x2800  }
0xb2: {  	[tilespmem:s22], [sflag:$0x1] =	stream.indirect_vreg.gather [hbm4b:s6+s4], $0x80, v2, vm0, $0xb8;
	[tilespmem:$0x1A000] =	vst v63  }
0xb3: {  	s3 =	simm.s32 $0x3000  }
0xb4: {  	[tilespmem:s3], [sflag:$0x1] =	stream.indirect_vreg.gather [hbm4b:s7+s4], $0x80, v2, vm0, $0xb8;
	[tilespmem:$0x1A000] =	vst v63  }
0xb5: {  	s2 =	simm.s32 $0x3800  }
0xb6: {  	[tilespmem:s2], [sflag:$0x1] =	stream.indirect_vreg.gather [hbm4b:s8+s4], $0x80, v2, vm0, $0xb8;
	[tilespmem:$0x1A000] =	vst v63  }
0xb7: {  	s3 =	simm.s32 $0x4000  }
0xb8: {  	[tilespmem:s3], [sflag:$0x1] =	stream.indirect_vreg.gather [hbm4b:s9+s4], $0x80, v2, vm0, $0xb8;
	[tilespmem:$0x1A000] =	vst v63  }
0xb9: {  	s2 =	simm.s32 $0x4800  }
0xba: {  	[tilespmem:s2], [sflag:$0x1] =	stream.indirect_vreg.gather [hbm4b:s10+s4], $0x80, v2, vm0, $0xb8;
	[tilespmem:$0x1A000] =	vst v63  }
0xbb: {  	s3 =	simm.s32 $0x5000  }
0xbc: {  	[tilespmem:s3], [sflag:$0x1] =	stream.indirect_vreg.gather [hbm4b:s11+s4], $0x80, v2, vm0, $0xb8;
	[tilespmem:$0x1A000] =	vst v63  }
0xbd: {  	s2 =	simm.s32 $0x5800  }
0xbe: {  	[tilespmem:s2], [sflag:$0x1] =	stream.indirect_vreg.gather [hbm4b:s12+s4], $0x80, v2, vm0, $0xb8;
	[tilespmem:$0x1A000] =	vst v63  }
0xbf: {  	s3 =	simm.s32 $0x6000  }
0xc0: {  	[tilespmem:s3], [sflag:$0x1] =	stream.indirect_vreg.gather [hbm4b:s13+s4], $0x80, v2, vm0, $0xb8;
	[tilespmem:$0x1A000] =	vst v63  }
0xc1: {  	s2 =	simm.s32 $0x6800  }
0xc2: {  	[tilespmem:s2], [sflag:$0x1] =	stream.indirect_vreg.gather [hbm4b:s14+s4], $0x80, v2, vm0, $0xb8;
	[tilespmem:$0x1A000] =	vst v63  }
0xc3: {  	s3 =	simm.s32 $0x7000  }
0xc4: {  	[tilespmem:s3], [sflag:$0x1] =	stream.indirect_vreg.gather [hbm4b:s15+s4], $0x80, v2, vm0, $0xb8;
	[tilespmem:$0x1A000] =	vst v63  }
0xc5: {  	s2 =	simm.s32 $0x7800  }
0xc6: {  	[tilespmem:s2], [sflag:$0x1] =	stream.indirect_vreg.gather [hbm4b:s16+s4], $0x80, v2, vm0, $0xb8;
	[tilespmem:$0x1A000] =	vst v63  }
0xc7: {  	s3 =	simm.s32 $0x8000  }
0xc8: {  	[tilespmem:s3], [sflag:$0x1] =	stream.indirect_vreg.gather [hbm4b:s17+s4], $0x80, v2, vm0, $0xb8;
	[tilespmem:$0x1A000] =	vst v63  }
0xc9: {  	s2 =	simm.s32 $0x8800  }
0xca: {  	[tilespmem:s2], [sflag:$0x1] =	stream.indirect_vreg.gather [hbm4b:s18+s4], $0x80, v2, vm0, $0xb8;
	[tilespmem:$0x1A000] =	vst v63  }
0xcb: {  	s3 =	simm.s32 $0x9000  }
0xcc: {  	[tilespmem:s3], [sflag:$0x1] =	stream.indirect_vreg.gather [hbm4b:s19+s4], $0x80, v2, vm0, $0xb8;
	[tilespmem:$0x1A000] =	vst v63  }
0xcd: {  	s2 =	simm.s32 $0x9800;
	s3 =	sadd.s32 $0x8000, s25  }
0xce: {  	[tilespmem:s2], [sflag:$0x1] =	stream.indirect_vreg.gather [hbm4b:s20+s4], $0x80, v2, vm0, $0xb8;
	[tilespmem:$0x1A000] =	vst v63  }
0xcf: {  	s0 =	sxor.u32 $0xFFFFFFFF, s28;
	s2 =	sand.u32 $0x1FF0000, s3  }
0xd0: {  	s3 =	sand.u32 $0x200, s0;
	s2 =	sadd.s32 s21, s2  }
0xd1: {  	s2 =	sor.u32 s3, s2  }
0xd2: {  	s2 =	sshrl.u32 s2, $0x3  }
0xd3: {  	s3 =	simm.s32 $0xA000;
	s2 =	sadd.s32 s1, s2  }
0xd4: {  	[hbm4b:s2+s26] =	stream.strided.scatter [tilespmem:s3], [sflag:$0x5], $0x8000, s24, s26, $0x38;
	[tilespmem:$0x1A000] =	vst v63  }
0xd5: {  	s3 =	simm.s32 $0x3  }
0xd6: {  	_ =	swait.ge [sflag:s3], $0x8000  }
0xd7: {  	p0 =	seq.s32 s30, $0x1E0000;
	[sflag:s3] =	ssyncset.done $0x0  }
0xd8: {  	s2 =	simm.s32 @!p0 $0x5;
	[sflag:s3] =	ssyncadd.s32 $0xFFFF8000  }
0xd9: {  	_ =	swait.ge @!p0 [sflag:s2], $0x8000  }
0xda: {  	[sflag:s2] =	ssyncset.done @!p0 $0x0  }
0xdb: {  	[sflag:s2] =	ssyncadd.s32 @!p0 $0xFFFF8000;
	s2 =	sshra.s32 @!p0 s28, $0x2  }
0xdc: {  	v2 =	vld.msk @!p0 [tilespmem:s2+$0x200], $0xf;
	_ =	sdelay $0x4  }
0xdd: {  	v3 =	vshll.u32 @!p0 v2, $0x6  }
0xde: {  	v4 =	vlaneseq.u32 @!p0;
	v2 =	vand.u32 @!p0 $0x7, v2;
	v3 =	vand.u32 @!p0 $0xFFFFFE00, v3  }
0xdf: {  	v2 =	vor.u32 @!p0 v2, v3;
	v3 =	vand.u32 @!p0 $0x3, v4;
	v4 =	vshrl.u32 @!p0 v4, $0x2  }
0xe0: {  	v2 =	vperm.xlane @!p0 v2, v3;
	v3 =	vmul.u32 @!p0 $0x8, v4;
	_ =	sdelay $0x1  }
0xe1: {  	v2 =	vadd.s32 @!p0 v3, v2;
	_ =	sdelay $0x3  }
0xe2: {  	vm1 =	vmmov @!p0 $0xffff;
	s3 =	simm.s32 @!p0 $0xA000;
	s2 =	simm.s32 @!p0 $0x0  }
0xe3: {  	[tilespmem:s3], [sflag:$0x2] =	stream.indirect_vreg.gather @!p0 [hbm4b:s5+s2], $0x80, v2, vm1, $0xb8;
	[tilespmem:$0x1A000] =	vst v63  }
0xe4: {  	s3 =	simm.s32 @!p0 $0xA800  }
0xe5: {  	[tilespmem:s3], [sflag:$0x2] =	stream.indirect_vreg.gather @!p0 [hbm4b:s6+s2], $0x80, v2, vm1, $0xb8;
	[tilespmem:$0x1A000] =	vst v63  }
0xe6: {  	s3 =	simm.s32 @!p0 $0xB000  }
0xe7: {  	[tilespmem:s3], [sflag:$0x2] =	stream.indirect_vreg.gather @!p0 [hbm4b:s7+s2], $0x80, v2, vm1, $0xb8;
	[tilespmem:$0x1A000] =	vst v63  }
0xe8: {  	s3 =	simm.s32 @!p0 $0xB800  }
0xe9: {  	[tilespmem:s3], [sflag:$0x2] =	stream.indirect_vreg.gather @!p0 [hbm4b:s8+s2], $0x80, v2, vm1, $0xb8;
	[tilespmem:$0x1A000] =	vst v63  }
0xea: {  	s3 =	simm.s32 @!p0 $0xC000  }
0xeb: {  	[tilespmem:s3], [sflag:$0x2] =	stream.indirect_vreg.gather @!p0 [hbm4b:s9+s2], $0x80, v2, vm1, $0xb8;
	[tilespmem:$0x1A000] =	vst v63  }
0xec: {  	s3 =	simm.s32 @!p0 $0xC800  }
0xed: {  	[tilespmem:s3], [sflag:$0x2] =	stream.indirect_vreg.gather @!p0 [hbm4b:s10+s2], $0x80, v2, vm1, $0xb8;
	[tilespmem:$0x1A000] =	vst v63  }
0xee: {  	s3 =	simm.s32 @!p0 $0xD000  }
0xef: {  	[tilespmem:s3], [sflag:$0x2] =	stream.indirect_vreg.gather @!p0 [hbm4b:s11+s2], $0x80, v2, vm1, $0xb8;
	[tilespmem:$0x1A000] =	vst v63  }
0xf0: {  	s3 =	simm.s32 @!p0 $0xD800  }
0xf1: {  	[tilespmem:s3], [sflag:$0x2] =	stream.indirect_vreg.gather @!p0 [hbm4b:s12+s2], $0x80, v2, vm1, $0xb8;
	[tilespmem:$0x1A000] =	vst v63  }
0xf2: {  	s3 =	simm.s32 @!p0 $0xE000  }
0xf3: {  	[tilespmem:s3], [sflag:$0x2] =	stream.indirect_vreg.gather @!p0 [hbm4b:s13+s2], $0x80, v2, vm1, $0xb8;
	[tilespmem:$0x1A000] =	vst v63  }
0xf4: {  	s3 =	simm.s32 @!p0 $0xE800  }
0xf5: {  	[tilespmem:s3], [sflag:$0x2] =	stream.indirect_vreg.gather @!p0 [hbm4b:s14+s2], $0x80, v2, vm1, $0xb8;
	[tilespmem:$0x1A000] =	vst v63  }
0xf6: {  	s3 =	simm.s32 @!p0 $0xF000  }
0xf7: {  	[tilespmem:s3], [sflag:$0x2] =	stream.indirect_vreg.gather @!p0 [hbm4b:s15+s2], $0x80, v2, vm1, $0xb8;
	[tilespmem:$0x1A000] =	vst v63  }
0xf8: {  	s3 =	simm.s32 @!p0 $0xF800  }
0xf9: {  	[tilespmem:s3], [sflag:$0x2] =	stream.indirect_vreg.gather @!p0 [hbm4b:s16+s2], $0x80, v2, vm1, $0xb8;
	[tilespmem:$0x1A000] =	vst v63  }
0xfa: {  	s3 =	simm.s32 @!p0 $0x10000  }
0xfb: {  	[tilespmem:s3], [sflag:$0x2] =	stream.indirect_vreg.gather @!p0 [hbm4b:s17+s2], $0x80, v2, vm1, $0xb8;
	[tilespmem:$0x1A000] =	vst v63  }
0xfc: {  	s3 =	simm.s32 @!p0 $0x10800  }
0xfd: {  	[tilespmem:s3], [sflag:$0x2] =	stream.indirect_vreg.gather @!p0 [hbm4b:s18+s2], $0x80, v2, vm1, $0xb8;
	[tilespmem:$0x1A000] =	vst v63  }
0xfe: {  	s3 =	simm.s32 @!p0 $0x11000  }
0xff: {  	[tilespmem:s3], [sflag:$0x2] =	stream.indirect_vreg.gather @!p0 [hbm4b:s19+s2], $0x80, v2, vm1, $0xb8;
	[tilespmem:$0x1A000] =	vst v63  }
0x100: {  	s30 =	sadd.s32 $0x18000, s30;
	s0 =	sadd.s32 $0x10000, s25;
	s3 =	simm.s32 @!p0 $0x11800  }
0x101: {  	[tilespmem:s3], [sflag:$0x2] =	stream.indirect_vreg.gather @!p0 [hbm4b:s20+s2], $0x80, v2, vm1, $0xb8;
	[tilespmem:$0x1A000] =	vst v63  }
0x102: {  	s2 =	sand.u32 $0x1FF0000, s0;
	p0 =	sne.s32 s30, $0x1F8000  }
.Ltmp0:
0x103: {  	s29 =	sadd.s32 $0x200, s29;
	s2 =	sadd.s32 s21, s2;
	(pc) =	sbr.rel @p0 .LBB2_2-.Ltmp0, $4  }
0x104: {  	s23 =	simm.s32 $0x2000;
	s25 =	smov.u32 s1;
	s2 =	sor.u32 s31, s2  }
0x105: {  	s28 =	sadd.s32 $0x600, s28;
	s3 =	simm.s32 $0x12000;
	s2 =	sshrl.u32 s2, $0x3  }
0x106: {  	s0 =	simm.s32 $0x200;
	s31 =	simm.s32 $0x400;
	s2 =	sadd.s32 s1, s2  }
0x107: {  	[hbm4b:s2+s26] =	stream.strided.scatter [tilespmem:s3], [sflag:$0x6], $0x8000, s24, s26, $0x38;
	[tilespmem:$0x1A000] =	vst v63  }
0x108: {  	s1 =	simm.s32 $0x1  }
0x109: {  	_ =	swait.ge [sflag:s1], $0x8000  }
0x10a: {  	[sflag:s1] =	ssyncset.done $0x0  }
0x10b: {  	s2 =	simm.s32 $0x5;
	s3 =	rddreg [dreg:$0x15];
	[sflag:s1] =	ssyncadd.s32 $0xFFFF8000  }
0x10c: {  	[hbm4b:s3+s0] =	stream.strided.scatter [tilespmem:s23], [sflag:$0x4], $0x8000, s31, s0, $0x38;
	[tilespmem:$0x1A000] =	vst v63  }
0x10d: {  	_ =	swait.ge [sflag:s2], $0x8000  }
0x10e: {  	[sflag:s2] =	ssyncset.done $0x0  }
0x10f: {  	s3 =	simm.s32 $0x6;
	[sflag:s2] =	ssyncadd.s32 $0xFFFF8000  }
0x110: {  	_ =	swait.ge [sflag:s3], $0x8000  }
0x111: {  	[sflag:s3] =	ssyncset.done $0x0  }
0x112: {  	s2 =	simm.s32 $0x4;
	[sflag:s3] =	ssyncadd.s32 $0xFFFF8000  }
0x113: {  	_ =	swait.ge [sflag:s2], $0x8000  }
0x114: {  	s1 =	rddreg [dreg:$0x17]  }
0x115: {  	s3 =	rddreg [dreg:$0x16];
	s0 =	sadd.s32 $0x1, s1  }
0x116: {  	p0 =	sne.s32 s0, s3  }
.Ltmp1:
0x117: {  	_ = 	snop;
	(pc) =	sbr.rel @p0 .LBB2_1-.Ltmp1, $4  }
0x118: {  	_ = 	snop  }
0x119: {  	s28 =	simm.s32 $0x4000;
	s29 =	simm.s32 $0x4800;
	[sflag:s2] =	ssyncset.done $0x0  }
0x11a: {  	s30 =	simm.s32 $0x5000;
	s31 =	simm.s32 $0x5800;
	[sflag:s2] =	ssyncadd.s32 $0xFFFF8000  }
0x11b: {  	s1 =	smov.u32 s5;
	s5 =	simm.s32 $0x3800;
	s3 =	simm.s32 $0x3000  }
0x11c: {  	_ =	sfence.sel $0x180000  }
0x11d: {  	[bflag:$0x0] =	sbarrier.arrive $0xFFFF  }
0x11e: {  	_ =	strace $0x90000047  }
0x11f: {  	s0 =	stileid.u32;
	[bflag:$0x2] =	sbarrier.arrive $0xFFFF  }
0x120: {  	p0 =	sne.s32 s0, $0x0;
	s0 =	rddreg [dreg:$0x3]  }
0x121: {  	s0 =	sadd.s32 @!p0 $0x100000, s0  }
0x122: {  	[sflag:s0] =	ssyncadd.tile.s32 @!p0 $0x1;
	_ =	shalt  }
.Lfunc_end2:
_tile_overlayer_lowered:
.L_overlay_start_2:
0x123: {  	(tag) =	ssettag $0x2  }
0x124: {  	s0 =	rddreg [dreg:$0x0];
	s2 =	stileid.u32  }
0x125: {  	s1 =	rddreg [dreg:$0x1];
	p0 =	sne.s32 s2, $0x0  }
0x126: {  	s3 =	rddreg [dreg:$0x2];
	[bflag:$0x3] =	sbarrier.arrive $0xFFFF;
	s2 =	simm.s32 @!p0 $0x1C07  }
0x127: {  	[timem:s3], [sflag:s2] =	dma.local @!p0 [hbm:s0], s1  }
0x128: {  	s0 =	simm.s32 @!p0 $0x7  }
0x129: {  	_ =	swait.ge @!p0 [sflag:s0], s1  }
0x12a: {  	s1 =	ssub.s32 @!p0 $0x0, s1;
	[sflag:s0] =	ssyncset.done @!p0 $0x0  }
0x12b: {  	[sflag:s0] =	ssyncadd.s32 @!p0 s1  }
0x12c: {  	[bflag:$0x3] =	sbarrier.arrive $0xFFFF  }
0x12d: {  	_ =	shalt  }

</sc_bundles>
